<compile_context>
chip_gen: v7x
topology: tpu7x:2x2x1
jax: 0.10.2.dev20260603
libtpu: 0.0.44.dev20260713+nightly
codegen_flags: <defaults>
</compile_context>

<pallas_src>
import functools
import math

import jax
import jax.numpy as jnp
from jax import lax
from jax.experimental import pallas as pl
from jax.experimental.pallas import tpu as pltpu
from jax.experimental.pallas import tpu_sc as plsc

_LOG_NORM_CONST = -0.5 * math.log(2 * math.pi)
_NUM_ITER = 3
_BETA = 0.9
_K = 512
_D = 64
_N = 2048


def _tree_last(x):
    n = x.shape[-1]
    while n > 1:
        h = n // 2
        x = x[..., :h] + x[..., h:n]
        n = h
    return x


def _red_k_sum(x):
    acc = x[0:8]
    for i in range(1, 64):
        acc = acc + x[i * 8:(i + 1) * 8]
    n = 8
    while n > 1:
        h = n // 2
        acc = acc[:h] + acc[h:n]
        n = h
    return acc


def _red_n_sum(x):
    acc = x[:, 0:128]
    for i in range(1, 16):
        acc = acc + x[:, i * 128:(i + 1) * 128]
    acc2 = acc[:, 0:8]
    for j in range(1, 16):
        acc2 = acc2 + acc[:, j * 8:(j + 1) * 8]
    return _tree_last(acc2)


def _ll_into(ll_ref, xft_ref, mu_ref, lv_ref):
    xt = xft_ref[:]
    def chunk(c, _):
        base = pl.multiple_of(c * 16, 8)
        mu_c = mu_ref[pl.ds(base, 16)][:, :, None]
        lv_c = lv_ref[pl.ds(base, 16)][:, :, None]
        t = (-0.5 * (lv_c + (xt[None, :, :] - mu_c) ** 2 / jnp.exp(lv_c))
             + _LOG_NORM_CONST)
        acc = None
        for c8 in range(8):
            part = t[:, c8 * 8:(c8 + 1) * 8, :]
            part = part[:, 0:4] + part[:, 4:8]
            part = part[:, 0:2] + part[:, 2:4]
            part = part[:, 0:1] + part[:, 1:2]
            acc = part if acc is None else acc + part
        ll_ref[pl.ds(base, 16)] = acc[:, 0, :]
        return 0
    jax.lax.fori_loop(0, 32, chunk, 0)


_KB = 32


def _em_iter_body(xf_ref, xft_ref, mu_ref, lv_ref, munew_ref, lvnew_ref,
                  ll_ref, p_ref, den_ref):
    _ll_into(ll_ref, xft_ref, mu_ref, lv_ref)
    ll = ll_ref[:]
    m = jnp.max(ll, axis=0, keepdims=True)
    ex = jnp.exp(ll - m)
    s = _red_k_sum(ex)
    p = jnp.exp(ll - (m + jnp.log(s)))
    p_ref[:] = p
    n_k = _red_n_sum(p)
    den_ref[:] = n_k + 1e-6
    pb = p.astype(jnp.bfloat16)
    xb = xf_ref[:].astype(jnp.bfloat16)
    s1 = jax.lax.dot_general(pb, xb, (((1,), (0,)), ((), ())),
                             preferred_element_type=jnp.float32)
    munew_ref[:] = s1 / den_ref[:]

    xtv = xft_ref[:]

    def vblk(i, _):
        base = pl.multiple_of(i * _KB, 8)
        mu_b = munew_ref[pl.ds(base, _KB)][:, :, None]
        a2 = (xtv[None, :, :] - mu_b) ** 2
        a2b = a2.astype(jnp.bfloat16)
        pb_b = p_ref[pl.ds(base, _KB)].astype(jnp.bfloat16)
        r = jax.lax.dot_general(pb_b[:, None, :], a2b,
                                (((2,), (2,)), ((0,), (0,))),
                                preferred_element_type=jnp.float32)
        var = r[:, 0, :] / den_ref[pl.ds(base, _KB)]
        lvnew_ref[pl.ds(base, _KB)] = jnp.log(jnp.maximum(var, 1e-6))
        return 0
    jax.lax.fori_loop(0, _K // _KB, vblk, 0)


def _em_iter(xf, xft, mu, lv):
    return pl.pallas_call(
        _em_iter_body,
        out_shape=[
            jax.ShapeDtypeStruct((_K, _D), jnp.float32),
            jax.ShapeDtypeStruct((_K, _D), jnp.float32),
        ],
        scratch_shapes=[
            pltpu.VMEM((_K, _N), jnp.float32),
            pltpu.VMEM((_K, _N), jnp.float32),
            pltpu.VMEM((_K, 1), jnp.float32),
        ],
    )(xf, xft, mu, lv)


def _final_body(xft_ref, mu_ref, lv_ref, emb_ref,
                enc_ref, embnew_ref, idx_ref, ll_ref):
    _ll_into(ll_ref, xft_ref, mu_ref, lv_ref)
    lik = jnp.exp(ll_ref[:])
    mx = jnp.max(lik, axis=0, keepdims=True)
    kio = lax.broadcasted_iota(jnp.int32, (_K, _N), 0)
    cand = jnp.where(lik == mx, kio, _K)
    idxr = jnp.min(cand, axis=0, keepdims=True)
    idx_col = jnp.transpose(idxr)
    nio = lax.broadcasted_iota(jnp.int32, (_N, _K), 1)
    enc_ref[:] = (nio == idx_col).astype(jnp.float32)
    idx_ref[:] = idx_col
    embnew_ref[:] = _BETA * emb_ref[:] + (1.0 - _BETA) * mu_ref[:]


def _final_k(xft, mu, lv, emb_mu):
    return pl.pallas_call(
        _final_body,
        out_shape=[
            jax.ShapeDtypeStruct((_N, _K), jnp.float32),
            jax.ShapeDtypeStruct((_K, _D), jnp.float32),
            jax.ShapeDtypeStruct((_N, 1), jnp.int32),
        ],
        scratch_shapes=[
            pltpu.VMEM((_K, _N), jnp.float32),
        ],
    )(xft, mu, lv, emb_mu)


_NW = 32
_BPW = _N // _NW
_DP = 128


def _sc_lookup(table, idx):
    nc = 2
    mesh = plsc.VectorSubcoreMesh(core_axis_name="c", subcore_axis_name="s")

    @functools.partial(
        pl.kernel,
        mesh=mesh,
        out_type=jax.ShapeDtypeStruct((_N, _DP), jnp.float32),
        scratch_types=[
            pltpu.VMEM((_BPW,), jnp.int32),
            pltpu.VMEM((_BPW, _DP), jnp.float32),
            pltpu.SemaphoreType.DMA,
        ],
    )
    def gather_k(table_hbm, idx_hbm, out_hbm, idx_v, rows_v, sem):
        wid = lax.axis_index("s") * nc + lax.axis_index("c")
        base = wid * _BPW
        pltpu.sync_copy(idx_hbm.at[pl.ds(base, _BPW)], idx_v)
        pltpu.async_copy(table_hbm.at[idx_v], rows_v, sem).wait()
        pltpu.sync_copy(rows_v, out_hbm.at[pl.ds(base, _BPW)])

    padded = jnp.pad(table, ((0, 0), (0, _DP - _D)))
    return gather_k(padded, idx)[:, :_D]


def kernel(x, embeddings_mu, embeddings_logvar, embeddings_pi, batch_mu,
           batch_logvar):
    del embeddings_logvar, embeddings_pi
    b, ch, h, w = x.shape
    xf = jnp.transpose(x, (0, 2, 3, 1)).reshape(-1, _D)
    xft = xf.T
    mu, lv = batch_mu, batch_logvar
    for _ in range(_NUM_ITER):
        mu, lv = _em_iter(xf, xft, mu, lv)
    enc, emb_new, idx = _final_k(xft, mu, lv, embeddings_mu)
    quantized = _sc_lookup(emb_new, idx.reshape(-1))
    qr = jnp.transpose(quantized.reshape(b, h, w, ch), (0, 3, 1, 2))
    return enc, qr

# --- scband reference (transcript-rebuilt; emitter-appended) ---
"""Pipeline reference for scband-gmembedding-47347719471275 (READ-ONLY COPY).

The authoritative reference and input builder live on the scoring server;
editing this copy changes nothing except your own understanding.
"""

import math
import jax, jax.numpy as jnp
import numpy as np

LOG_NORM_CONST = -0.5 * math.log(2 * math.pi)
NUM_ITER = 3
BETA = 0.9
K = 512
D = 64


def setup_inputs(seed: int = 0) -> dict:
    key = jax.random.key(seed)
    ks = jax.random.split(key, 6)
    lim = 1.0 / K
    x = jax.random.normal(ks[0], (8, 64, 16, 16), dtype=jnp.float32)
    embeddings_mu = jax.random.uniform(ks[1], (K, D), minval=-lim, maxval=lim, dtype=jnp.float32)
    embeddings_logvar = jax.random.uniform(ks[2], (K, D), minval=-lim, maxval=lim, dtype=jnp.float32)
    embeddings_pi = jax.random.uniform(ks[3], (K, K), minval=-lim, maxval=lim, dtype=jnp.float32)
    batch_mu = jax.random.normal(ks[4], (K, D), dtype=jnp.float32)
    batch_logvar = jnp.ones((K, D), dtype=jnp.float32)
    return {
        "x": x,
        "embeddings_mu": embeddings_mu,
        "embeddings_logvar": embeddings_logvar,
        "embeddings_pi": embeddings_pi,
        "batch_mu": batch_mu,
        "batch_logvar": batch_logvar,
    }


def _log_gaussian(x, mu, logvar):
    logexp = -0.5 * (logvar + (x - mu) ** 2 / jnp.exp(logvar))
    return logexp + LOG_NORM_CONST


def _log_likelihoods(xf, mu, logvar):
    # xf: [N, D], mu/logvar: [K, D] -> [K, N]
    ll = _log_gaussian(xf[None, :, :], mu[:, None, :], logvar[:, None, :])
    return ll.sum(-1)


def _logsumexp0(x):
    m = jnp.max(x, axis=0, keepdims=True)
    return m + jnp.log(jnp.sum(jnp.exp(x - m), axis=0, keepdims=True))


def _em_step(xf, mu, logvar, eps=1e-6, min_var=1e-6):
    ll = _log_likelihoods(xf, mu, logvar)                      # [K, N]
    posteriors = jnp.exp(ll - _logsumexp0(ll))                 # [K, N]
    N_k = jnp.sum(posteriors, axis=1).reshape(K, 1, 1)
    mu_new = jnp.matmul(posteriors[:, None, :], xf[None, :, :])  # [K, 1, D]
    mu_new = mu_new / (N_k + eps)
    A = xf - mu_new                                            # [K, N, D]
    var = jnp.matmul(posteriors[:, None, :], A ** 2)           # [K, 1, D]
    var = var / (N_k + eps)
    logvar_new = jnp.log(jnp.maximum(var, min_var))
    pi_new = (N_k / N_k.sum()).squeeze()
    return mu_new.squeeze(1), logvar_new.squeeze(1), pi_new


def reference(x, embeddings_mu, embeddings_logvar, embeddings_pi, batch_mu, batch_logvar):
    xp = jnp.transpose(x, (0, 2, 3, 1))       # [B, H, W, C]
    input_shape = xp.shape
    xf = xp.reshape(-1, D)                    # [N, D]
    mu, logvar = batch_mu, batch_logvar
    for _ in range(NUM_ITER):
        mu, logvar, pi = _em_step(xf, mu, logvar)
    emb_mu_new = BETA * embeddings_mu + (1.0 - BETA) * mu
    likelihoods = jnp.exp(_log_likelihoods(xf, mu, logvar))   # [K, N]
    encoding_indices = jnp.argmax(likelihoods.T, axis=1)      # [N]
    encodings = jax.nn.one_hot(encoding_indices, K, dtype=jnp.float32)  # [N, K]
    quantized = encodings @ emb_mu_new                        # [N, D]
    quantized_reshaped = jnp.transpose(quantized.reshape(input_shape), (0, 3, 1, 2))
    return encodings, quantized_reshaped

if __name__ == "__main__":
    import jax
    _d = setup_inputs()
    print(jax.jit(kernel)(*tuple(_d.values())))

</pallas_src>

<mosaic_0001>
#map = affine_map<(d0, d1) -> (0, 0)>
#map1 = affine_map<(d0, d1) -> (0)>
module attributes {stable_mosaic.version = 14 : i64} {
  func.func @gather_k(%arg0: i32, %arg1: i32, %arg2: memref<512x128xf32, #tpu.memory_space<hbm>>, %arg3: memref<2048xi32, #tpu.memory_space<hbm>>, %arg4: memref<2048x128xf32, #tpu.memory_space<hbm>>, %arg5: memref<64xi32, #tpu.memory_space<vmem>>, %arg6: memref<64x128xf32, #tpu.memory_space<vmem>>, %arg7: memref<!tpu.dma_semaphore, #tpu.memory_space<semaphore_mem>>) attributes {dimension_semantics = [#tpu.dimension_semantics<core_parallel>, #tpu.dimension_semantics<subcore_parallel>], iteration_bounds = array<i64: 2, 16>, scalar_prefetch = 0 : i64, scratch_operands = 3 : i64, tpu.core_type = #tpu.core_type<sc_vector_subcore>, window_params = [{transform_indices = #map}, {transform_indices = #map1}, {transform_indices = #map}]} {
    %mul3A = arith.constant 2 : i32
    %mul3A_0 = arith.muli %arg1, %mul3A : i32
    %add3A = arith.addi %mul3A_0, %arg0 : i32
    %mul3A_1 = arith.constant 64 : i32
    %mul3A_2 = arith.muli %add3A, %mul3A_1 : i32
    "tpu.region"() ({
      %run_scoped3A = tpu.sem_alloc : memref<!tpu.dma_semaphore, #tpu.memory_space<semaphore_mem>>
      %dma_start3A_7 = tpu.memref_slice %arg3[%mul3A_2] : memref<2048xi32, #tpu.memory_space<hbm>> -> memref<64xi32, #tpu.memory_space<hbm>>
      %dma_start3A_8 = tpu.memref_slice %arg3[%mul3A_2] : memref<2048xi32, #tpu.memory_space<hbm>> -> memref<64xi32, #tpu.memory_space<hbm>>
      tpu.enqueue_dma source(%dma_start3A_8 : memref<64xi32, #tpu.memory_space<hbm>>) target(%arg5 : memref<64xi32, #tpu.memory_space<vmem>>) target_semaphore(%run_scoped3A : memref<!tpu.dma_semaphore, #tpu.memory_space<semaphore_mem>>)
      %dma_wait3A_9 = tpu.memref_slice %arg3[%mul3A_2] : memref<2048xi32, #tpu.memory_space<hbm>> -> memref<64xi32, #tpu.memory_space<hbm>>
      %dma_wait3A_10 = tpu.memref_slice %arg3[%mul3A_2] : memref<2048xi32, #tpu.memory_space<hbm>> -> memref<64xi32, #tpu.memory_space<hbm>>
      tpu.wait_dma2 semaphore(%run_scoped3A : memref<!tpu.dma_semaphore, #tpu.memory_space<semaphore_mem>>) src(%dma_wait3A_10 : memref<64xi32, #tpu.memory_space<hbm>>) dst(%arg5 : memref<64xi32, #tpu.memory_space<vmem>>)
      tpu.yield
    }) : () -> ()
    %dma_start3A = arith.constant 0 : i32
    %dma_start3A_3 = arith.constant 0 : i32
    %dma_start3A_4 = tpu.memref_slice %arg2[%dma_start3A, %dma_start3A_3] : memref<512x128xf32, #tpu.memory_space<hbm>> -> memref<512x128xf32, #tpu.memory_space<hbm>>
    tpu.enqueue_indirect_dma source(%dma_start3A_4 : memref<512x128xf32, #tpu.memory_space<hbm>>) target(%arg6 : memref<64x128xf32, #tpu.memory_space<vmem>>) offsets(%arg5 : memref<64xi32, #tpu.memory_space<vmem>>) semaphore(%arg7 : memref<!tpu.dma_semaphore, #tpu.memory_space<semaphore_mem>>)
    %dma_wait3A = arith.constant 0 : i32
    %dma_wait3A_5 = arith.constant 0 : i32
    %dma_wait3A_6 = tpu.memref_slice %arg2[%dma_wait3A, %dma_wait3A_5] : memref<512x128xf32, #tpu.memory_space<hbm>> -> memref<512x128xf32, #tpu.memory_space<hbm>>
    tpu.wait_indirect_dma semaphore(%arg7 : memref<!tpu.dma_semaphore, #tpu.memory_space<semaphore_mem>>) src(%dma_wait3A_6 : memref<512x128xf32, #tpu.memory_space<hbm>>) dst(%arg6 : memref<64x128xf32, #tpu.memory_space<vmem>>)
    "tpu.region"() ({
      %run_scoped3A = tpu.sem_alloc : memref<!tpu.dma_semaphore, #tpu.memory_space<semaphore_mem>>
      %dma_start3A_7 = arith.constant 0 : i32
      %dma_start3A_8 = tpu.memref_slice %arg4[%mul3A_2, %dma_start3A_7] : memref<2048x128xf32, #tpu.memory_space<hbm>> -> memref<64x128xf32, #tpu.memory_space<hbm>>
      %dma_start3A_9 = arith.constant 0 : i32
      %dma_start3A_10 = tpu.memref_slice %arg4[%mul3A_2, %dma_start3A_9] : memref<2048x128xf32, #tpu.memory_space<hbm>> -> memref<64x128xf32, #tpu.memory_space<hbm>>
      tpu.enqueue_dma source(%arg6 : memref<64x128xf32, #tpu.memory_space<vmem>>) target(%dma_start3A_10 : memref<64x128xf32, #tpu.memory_space<hbm>>) target_semaphore(%run_scoped3A : memref<!tpu.dma_semaphore, #tpu.memory_space<semaphore_mem>>)
      %dma_wait3A_11 = arith.constant 0 : i32
      %dma_wait3A_12 = tpu.memref_slice %arg4[%mul3A_2, %dma_wait3A_11] : memref<2048x128xf32, #tpu.memory_space<hbm>> -> memref<64x128xf32, #tpu.memory_space<hbm>>
      %dma_wait3A_13 = arith.constant 0 : i32
      %dma_wait3A_14 = tpu.memref_slice %arg4[%mul3A_2, %dma_wait3A_13] : memref<2048x128xf32, #tpu.memory_space<hbm>> -> memref<64x128xf32, #tpu.memory_space<hbm>>
      tpu.wait_dma2 semaphore(%run_scoped3A : memref<!tpu.dma_semaphore, #tpu.memory_space<semaphore_mem>>) src(%arg6 : memref<64x128xf32, #tpu.memory_space<vmem>>) dst(%dma_wait3A_14 : memref<64x128xf32, #tpu.memory_space<hbm>>)
      tpu.yield
    }) : () -> ()
    return
  }
}

module attributes {stable_mosaic.version = 14 : i64} {
  func.func @_em_iter_body(%arg0: memref<2048x64xf32, #tpu.memory_space<vmem>>, %arg1: memref<64x2048xf32, #tpu.memory_space<vmem>>, %arg2: memref<512x64xf32, #tpu.memory_space<vmem>>, %arg3: memref<512x64xf32, #tpu.memory_space<vmem>>, %arg4: memref<512x64xf32, #tpu.memory_space<vmem>>, %arg5: memref<512x64xf32, #tpu.memory_space<vmem>>, %arg6: memref<512x2048xf32, #tpu.memory_space<vmem>>, %arg7: memref<512x2048xf32, #tpu.memory_space<vmem>>, %arg8: memref<512x1xf32, #tpu.memory_space<vmem>>) attributes {dimension_semantics = [], scalar_prefetch = 0 : i64, scratch_operands = 3 : i64, tpu.core_type = #tpu.core_type<tc>} {
    %get3A = arith.constant 0 : index
    %get3A_0 = arith.constant 0 : index
    %get3A_1 = vector.load %arg1[%get3A, %get3A_0] : memref<64x2048xf32, #tpu.memory_space<vmem>>, vector<64x2048xf32>
    %scan3A = arith.constant 0 : i32
    %scan3A_2 = arith.constant 32 : i32
    %scan3A_3 = arith.addi %scan3A, %scan3A_2 : i32
    %scan3A_4 = arith.constant 1 : i32
    scf.for %scan3A_248 = %scan3A to %scan3A_3 step %scan3A_4  : i32 {
      %mul3A = arith.constant 16 : i32
      %mul3A_249 = arith.muli %scan3A_248, %mul3A : i32
      %multiple_of3A = tpu.assume_multiple %mul3A_249, 8 : i32
      %get3A_250 = arith.index_cast %multiple_of3A : i32 to index
      %get3A_251 = arith.constant 0 : index
      %get3A_252 = vector.load %arg2[%get3A_250, %get3A_251] : memref<512x64xf32, #tpu.memory_space<vmem>>, vector<16x64xf32>
      %broadcast_in_dim3A_253 = vector.shape_cast %get3A_252 : vector<16x64xf32> to vector<16x64x1xf32>
      %get3A_254 = arith.index_cast %multiple_of3A : i32 to index
      %get3A_255 = arith.constant 0 : index
      %get3A_256 = vector.load %arg3[%get3A_254, %get3A_255] : memref<512x64xf32, #tpu.memory_space<vmem>>, vector<16x64xf32>
      %broadcast_in_dim3A_257 = vector.shape_cast %get3A_256 : vector<16x64xf32> to vector<16x64x1xf32>
      %broadcast_in_dim3A_258 = vector.shape_cast %get3A_1 : vector<64x2048xf32> to vector<1x64x2048xf32>
      %sub3A_259 = vector.broadcast %broadcast_in_dim3A_258 : vector<1x64x2048xf32> to vector<16x64x2048xf32>
      %sub3A_260 = vector.broadcast %broadcast_in_dim3A_253 : vector<16x64x1xf32> to vector<16x64x2048xf32>
      %sub3A_261 = arith.subf %sub3A_259, %sub3A_260 : vector<16x64x2048xf32>
      %integer_pow3A = arith.mulf %sub3A_261, %sub3A_261 : vector<16x64x2048xf32>
      %exp3A_262 = math.exp %broadcast_in_dim3A_257 : vector<16x64x1xf32>
      %div3A_263 = vector.broadcast %exp3A_262 : vector<16x64x1xf32> to vector<16x64x2048xf32>
      %div3A_264 = arith.divf %integer_pow3A, %div3A_263 : vector<16x64x2048xf32>
      %add3A_265 = vector.broadcast %broadcast_in_dim3A_257 : vector<16x64x1xf32> to vector<16x64x2048xf32>
      %add3A_266 = arith.addf %add3A_265, %div3A_264 : vector<16x64x2048xf32>
      %mul3A_267 = arith.constant -5.000000e-01 : f32
      %mul3A_268 = vector.broadcast %mul3A_267 : f32 to vector<16x64x2048xf32>
      %mul3A_269 = arith.mulf %mul3A_268, %add3A_266 : vector<16x64x2048xf32>
      %add3A_270 = arith.constant -0.918938517 : f32
      %add3A_271 = vector.broadcast %add3A_270 : f32 to vector<16x64x2048xf32>
      %add3A_272 = arith.addf %mul3A_269, %add3A_271 : vector<16x64x2048xf32>
      %slice3A_273 = vector.extract_strided_slice %add3A_272 {offsets = [0, 0, 0], sizes = [16, 8, 2048], strides = [1, 1, 1]} : vector<16x64x2048xf32> to vector<16x8x2048xf32>
      %slice3A_274 = vector.extract_strided_slice %slice3A_273 {offsets = [0, 0, 0], sizes = [16, 4, 2048], strides = [1, 1, 1]} : vector<16x8x2048xf32> to vector<16x4x2048xf32>
      %slice3A_275 = vector.extract_strided_slice %slice3A_273 {offsets = [0, 4, 0], sizes = [16, 4, 2048], strides = [1, 1, 1]} : vector<16x8x2048xf32> to vector<16x4x2048xf32>
      %add3A_276 = arith.addf %slice3A_274, %slice3A_275 : vector<16x4x2048xf32>
      %slice3A_277 = vector.extract_strided_slice %add3A_276 {offsets = [0, 0, 0], sizes = [16, 2, 2048], strides = [1, 1, 1]} : vector<16x4x2048xf32> to vector<16x2x2048xf32>
      %slice3A_278 = vector.extract_strided_slice %add3A_276 {offsets = [0, 2, 0], sizes = [16, 2, 2048], strides = [1, 1, 1]} : vector<16x4x2048xf32> to vector<16x2x2048xf32>
      %add3A_279 = arith.addf %slice3A_277, %slice3A_278 : vector<16x2x2048xf32>
      %slice3A_280 = vector.extract_strided_slice %add3A_279 {offsets = [0, 0, 0], sizes = [16, 1, 2048], strides = [1, 1, 1]} : vector<16x2x2048xf32> to vector<16x1x2048xf32>
      %slice3A_281 = vector.extract_strided_slice %add3A_279 {offsets = [0, 1, 0], sizes = [16, 1, 2048], strides = [1, 1, 1]} : vector<16x2x2048xf32> to vector<16x1x2048xf32>
      %add3A_282 = arith.addf %slice3A_280, %slice3A_281 : vector<16x1x2048xf32>
      %slice3A_283 = vector.extract_strided_slice %add3A_272 {offsets = [0, 8, 0], sizes = [16, 8, 2048], strides = [1, 1, 1]} : vector<16x64x2048xf32> to vector<16x8x2048xf32>
      %slice3A_284 = vector.extract_strided_slice %slice3A_283 {offsets = [0, 0, 0], sizes = [16, 4, 2048], strides = [1, 1, 1]} : vector<16x8x2048xf32> to vector<16x4x2048xf32>
      %slice3A_285 = vector.extract_strided_slice %slice3A_283 {offsets = [0, 4, 0], sizes = [16, 4, 2048], strides = [1, 1, 1]} : vector<16x8x2048xf32> to vector<16x4x2048xf32>
      %add3A_286 = arith.addf %slice3A_284, %slice3A_285 : vector<16x4x2048xf32>
      %slice3A_287 = vector.extract_strided_slice %add3A_286 {offsets = [0, 0, 0], sizes = [16, 2, 2048], strides = [1, 1, 1]} : vector<16x4x2048xf32> to vector<16x2x2048xf32>
      %slice3A_288 = vector.extract_strided_slice %add3A_286 {offsets = [0, 2, 0], sizes = [16, 2, 2048], strides = [1, 1, 1]} : vector<16x4x2048xf32> to vector<16x2x2048xf32>
      %add3A_289 = arith.addf %slice3A_287, %slice3A_288 : vector<16x2x2048xf32>
      %slice3A_290 = vector.extract_strided_slice %add3A_289 {offsets = [0, 0, 0], sizes = [16, 1, 2048], strides = [1, 1, 1]} : vector<16x2x2048xf32> to vector<16x1x2048xf32>
      %slice3A_291 = vector.extract_strided_slice %add3A_289 {offsets = [0, 1, 0], sizes = [16, 1, 2048], strides = [1, 1, 1]} : vector<16x2x2048xf32> to vector<16x1x2048xf32>
      %add3A_292 = arith.addf %slice3A_290, %slice3A_291 : vector<16x1x2048xf32>
      %add3A_293 = arith.addf %add3A_282, %add3A_292 : vector<16x1x2048xf32>
      %slice3A_294 = vector.extract_strided_slice %add3A_272 {offsets = [0, 16, 0], sizes = [16, 8, 2048], strides = [1, 1, 1]} : vector<16x64x2048xf32> to vector<16x8x2048xf32>
      %slice3A_295 = vector.extract_strided_slice %slice3A_294 {offsets = [0, 0, 0], sizes = [16, 4, 2048], strides = [1, 1, 1]} : vector<16x8x2048xf32> to vector<16x4x2048xf32>
      %slice3A_296 = vector.extract_strided_slice %slice3A_294 {offsets = [0, 4, 0], sizes = [16, 4, 2048], strides = [1, 1, 1]} : vector<16x8x2048xf32> to vector<16x4x2048xf32>
      %add3A_297 = arith.addf %slice3A_295, %slice3A_296 : vector<16x4x2048xf32>
      %slice3A_298 = vector.extract_strided_slice %add3A_297 {offsets = [0, 0, 0], sizes = [16, 2, 2048], strides = [1, 1, 1]} : vector<16x4x2048xf32> to vector<16x2x2048xf32>
      %slice3A_299 = vector.extract_strided_slice %add3A_297 {offsets = [0, 2, 0], sizes = [16, 2, 2048], strides = [1, 1, 1]} : vector<16x4x2048xf32> to vector<16x2x2048xf32>
      %add3A_300 = arith.addf %slice3A_298, %slice3A_299 : vector<16x2x2048xf32>
      %slice3A_301 = vector.extract_strided_slice %add3A_300 {offsets = [0, 0, 0], sizes = [16, 1, 2048], strides = [1, 1, 1]} : vector<16x2x2048xf32> to vector<16x1x2048xf32>
      %slice3A_302 = vector.extract_strided_slice %add3A_300 {offsets = [0, 1, 0], sizes = [16, 1, 2048], strides = [1, 1, 1]} : vector<16x2x2048xf32> to vector<16x1x2048xf32>
      %add3A_303 = arith.addf %slice3A_301, %slice3A_302 : vector<16x1x2048xf32>
      %add3A_304 = arith.addf %add3A_293, %add3A_303 : vector<16x1x2048xf32>
      %slice3A_305 = vector.extract_strided_slice %add3A_272 {offsets = [0, 24, 0], sizes = [16, 8, 2048], strides = [1, 1, 1]} : vector<16x64x2048xf32> to vector<16x8x2048xf32>
      %slice3A_306 = vector.extract_strided_slice %slice3A_305 {offsets = [0, 0, 0], sizes = [16, 4, 2048], strides = [1, 1, 1]} : vector<16x8x2048xf32> to vector<16x4x2048xf32>
      %slice3A_307 = vector.extract_strided_slice %slice3A_305 {offsets = [0, 4, 0], sizes = [16, 4, 2048], strides = [1, 1, 1]} : vector<16x8x2048xf32> to vector<16x4x2048xf32>
      %add3A_308 = arith.addf %slice3A_306, %slice3A_307 : vector<16x4x2048xf32>
      %slice3A_309 = vector.extract_strided_slice %add3A_308 {offsets = [0, 0, 0], sizes = [16, 2, 2048], strides = [1, 1, 1]} : vector<16x4x2048xf32> to vector<16x2x2048xf32>
      %slice3A_310 = vector.extract_strided_slice %add3A_308 {offsets = [0, 2, 0], sizes = [16, 2, 2048], strides = [1, 1, 1]} : vector<16x4x2048xf32> to vector<16x2x2048xf32>
      %add3A_311 = arith.addf %slice3A_309, %slice3A_310 : vector<16x2x2048xf32>
      %slice3A_312 = vector.extract_strided_slice %add3A_311 {offsets = [0, 0, 0], sizes = [16, 1, 2048], strides = [1, 1, 1]} : vector<16x2x2048xf32> to vector<16x1x2048xf32>
      %slice3A_313 = vector.extract_strided_slice %add3A_311 {offsets = [0, 1, 0], sizes = [16, 1, 2048], strides = [1, 1, 1]} : vector<16x2x2048xf32> to vector<16x1x2048xf32>
      %add3A_314 = arith.addf %slice3A_312, %slice3A_313 : vector<16x1x2048xf32>
      %add3A_315 = arith.addf %add3A_304, %add3A_314 : vector<16x1x2048xf32>
      %slice3A_316 = vector.extract_strided_slice %add3A_272 {offsets = [0, 32, 0], sizes = [16, 8, 2048], strides = [1, 1, 1]} : vector<16x64x2048xf32> to vector<16x8x2048xf32>
      %slice3A_317 = vector.extract_strided_slice %slice3A_316 {offsets = [0, 0, 0], sizes = [16, 4, 2048], strides = [1, 1, 1]} : vector<16x8x2048xf32> to vector<16x4x2048xf32>
      %slice3A_318 = vector.extract_strided_slice %slice3A_316 {offsets = [0, 4, 0], sizes = [16, 4, 2048], strides = [1, 1, 1]} : vector<16x8x2048xf32> to vector<16x4x2048xf32>
      %add3A_319 = arith.addf %slice3A_317, %slice3A_318 : vector<16x4x2048xf32>
      %slice3A_320 = vector.extract_strided_slice %add3A_319 {offsets = [0, 0, 0], sizes = [16, 2, 2048], strides = [1, 1, 1]} : vector<16x4x2048xf32> to vector<16x2x2048xf32>
      %slice3A_321 = vector.extract_strided_slice %add3A_319 {offsets = [0, 2, 0], sizes = [16, 2, 2048], strides = [1, 1, 1]} : vector<16x4x2048xf32> to vector<16x2x2048xf32>
      %add3A_322 = arith.addf %slice3A_320, %slice3A_321 : vector<16x2x2048xf32>
      %slice3A_323 = vector.extract_strided_slice %add3A_322 {offsets = [0, 0, 0], sizes = [16, 1, 2048], strides = [1, 1, 1]} : vector<16x2x2048xf32> to vector<16x1x2048xf32>
      %slice3A_324 = vector.extract_strided_slice %add3A_322 {offsets = [0, 1, 0], sizes = [16, 1, 2048], strides = [1, 1, 1]} : vector<16x2x2048xf32> to vector<16x1x2048xf32>
      %add3A_325 = arith.addf %slice3A_323, %slice3A_324 : vector<16x1x2048xf32>
      %add3A_326 = arith.addf %add3A_315, %add3A_325 : vector<16x1x2048xf32>
      %slice3A_327 = vector.extract_strided_slice %add3A_272 {offsets = [0, 40, 0], sizes = [16, 8, 2048], strides = [1, 1, 1]} : vector<16x64x2048xf32> to vector<16x8x2048xf32>
      %slice3A_328 = vector.extract_strided_slice %slice3A_327 {offsets = [0, 0, 0], sizes = [16, 4, 2048], strides = [1, 1, 1]} : vector<16x8x2048xf32> to vector<16x4x2048xf32>
      %slice3A_329 = vector.extract_strided_slice %slice3A_327 {offsets = [0, 4, 0], sizes = [16, 4, 2048], strides = [1, 1, 1]} : vector<16x8x2048xf32> to vector<16x4x2048xf32>
      %add3A_330 = arith.addf %slice3A_328, %slice3A_329 : vector<16x4x2048xf32>
      %slice3A_331 = vector.extract_strided_slice %add3A_330 {offsets = [0, 0, 0], sizes = [16, 2, 2048], strides = [1, 1, 1]} : vector<16x4x2048xf32> to vector<16x2x2048xf32>
      %slice3A_332 = vector.extract_strided_slice %add3A_330 {offsets = [0, 2, 0], sizes = [16, 2, 2048], strides = [1, 1, 1]} : vector<16x4x2048xf32> to vector<16x2x2048xf32>
      %add3A_333 = arith.addf %slice3A_331, %slice3A_332 : vector<16x2x2048xf32>
      %slice3A_334 = vector.extract_strided_slice %add3A_333 {offsets = [0, 0, 0], sizes = [16, 1, 2048], strides = [1, 1, 1]} : vector<16x2x2048xf32> to vector<16x1x2048xf32>
      %slice3A_335 = vector.extract_strided_slice %add3A_333 {offsets = [0, 1, 0], sizes = [16, 1, 2048], strides = [1, 1, 1]} : vector<16x2x2048xf32> to vector<16x1x2048xf32>
      %add3A_336 = arith.addf %slice3A_334, %slice3A_335 : vector<16x1x2048xf32>
      %add3A_337 = arith.addf %add3A_326, %add3A_336 : vector<16x1x2048xf32>
      %slice3A_338 = vector.extract_strided_slice %add3A_272 {offsets = [0, 48, 0], sizes = [16, 8, 2048], strides = [1, 1, 1]} : vector<16x64x2048xf32> to vector<16x8x2048xf32>
      %slice3A_339 = vector.extract_strided_slice %slice3A_338 {offsets = [0, 0, 0], sizes = [16, 4, 2048], strides = [1, 1, 1]} : vector<16x8x2048xf32> to vector<16x4x2048xf32>
      %slice3A_340 = vector.extract_strided_slice %slice3A_338 {offsets = [0, 4, 0], sizes = [16, 4, 2048], strides = [1, 1, 1]} : vector<16x8x2048xf32> to vector<16x4x2048xf32>
      %add3A_341 = arith.addf %slice3A_339, %slice3A_340 : vector<16x4x2048xf32>
      %slice3A_342 = vector.extract_strided_slice %add3A_341 {offsets = [0, 0, 0], sizes = [16, 2, 2048], strides = [1, 1, 1]} : vector<16x4x2048xf32> to vector<16x2x2048xf32>
      %slice3A_343 = vector.extract_strided_slice %add3A_341 {offsets = [0, 2, 0], sizes = [16, 2, 2048], strides = [1, 1, 1]} : vector<16x4x2048xf32> to vector<16x2x2048xf32>
      %add3A_344 = arith.addf %slice3A_342, %slice3A_343 : vector<16x2x2048xf32>
      %slice3A_345 = vector.extract_strided_slice %add3A_344 {offsets = [0, 0, 0], sizes = [16, 1, 2048], strides = [1, 1, 1]} : vector<16x2x2048xf32> to vector<16x1x2048xf32>
      %slice3A_346 = vector.extract_strided_slice %add3A_344 {offsets = [0, 1, 0], sizes = [16, 1, 2048], strides = [1, 1, 1]} : vector<16x2x2048xf32> to vector<16x1x2048xf32>
      %add3A_347 = arith.addf %slice3A_345, %slice3A_346 : vector<16x1x2048xf32>
      %add3A_348 = arith.addf %add3A_337, %add3A_347 : vector<16x1x2048xf32>
      %slice3A_349 = vector.extract_strided_slice %add3A_272 {offsets = [0, 56, 0], sizes = [16, 8, 2048], strides = [1, 1, 1]} : vector<16x64x2048xf32> to vector<16x8x2048xf32>
      %slice3A_350 = vector.extract_strided_slice %slice3A_349 {offsets = [0, 0, 0], sizes = [16, 4, 2048], strides = [1, 1, 1]} : vector<16x8x2048xf32> to vector<16x4x2048xf32>
      %slice3A_351 = vector.extract_strided_slice %slice3A_349 {offsets = [0, 4, 0], sizes = [16, 4, 2048], strides = [1, 1, 1]} : vector<16x8x2048xf32> to vector<16x4x2048xf32>
      %add3A_352 = arith.addf %slice3A_350, %slice3A_351 : vector<16x4x2048xf32>
      %slice3A_353 = vector.extract_strided_slice %add3A_352 {offsets = [0, 0, 0], sizes = [16, 2, 2048], strides = [1, 1, 1]} : vector<16x4x2048xf32> to vector<16x2x2048xf32>
      %slice3A_354 = vector.extract_strided_slice %add3A_352 {offsets = [0, 2, 0], sizes = [16, 2, 2048], strides = [1, 1, 1]} : vector<16x4x2048xf32> to vector<16x2x2048xf32>
      %add3A_355 = arith.addf %slice3A_353, %slice3A_354 : vector<16x2x2048xf32>
      %slice3A_356 = vector.extract_strided_slice %add3A_355 {offsets = [0, 0, 0], sizes = [16, 1, 2048], strides = [1, 1, 1]} : vector<16x2x2048xf32> to vector<16x1x2048xf32>
      %slice3A_357 = vector.extract_strided_slice %add3A_355 {offsets = [0, 1, 0], sizes = [16, 1, 2048], strides = [1, 1, 1]} : vector<16x2x2048xf32> to vector<16x1x2048xf32>
      %add3A_358 = arith.addf %slice3A_356, %slice3A_357 : vector<16x1x2048xf32>
      %add3A_359 = arith.addf %add3A_348, %add3A_358 : vector<16x1x2048xf32>
      %squeeze3A = vector.shape_cast %add3A_359 : vector<16x1x2048xf32> to vector<16x2048xf32>
      %swap3A_360 = arith.index_cast %multiple_of3A : i32 to index
      %swap3A_361 = arith.constant 0 : index
      %swap3A_362 = vector.load %arg6[%swap3A_360, %swap3A_361] : memref<512x2048xf32, #tpu.memory_space<vmem>>, vector<16x2048xf32>
      tpu.vector_store %arg6[%swap3A_360, %swap3A_361], %squeeze3A {strides = array<i32>} : memref<512x2048xf32, #tpu.memory_space<vmem>>, vector<16x2048xf32>,
    }
    %scan3A_5 = arith.constant 32 : i32
    %get3A_6 = arith.constant 0 : index
    %get3A_7 = arith.constant 0 : index
    %get3A_8 = vector.load %arg6[%get3A_6, %get3A_7] : memref<512x2048xf32, #tpu.memory_space<vmem>>, vector<512x2048xf32>
    %reduce_max3A = arith.constant dense<0xFF800000> : vector<2048xf32>
    %reduce_max3A_9 = vector.multi_reduction <maximumf>, %get3A_8, %reduce_max3A [0] : vector<512x2048xf32> to vector<2048xf32>
    %broadcast_in_dim3A = vector.shape_cast %reduce_max3A_9 : vector<2048xf32> to vector<1x2048xf32>
    %sub3A = vector.broadcast %broadcast_in_dim3A : vector<1x2048xf32> to vector<512x2048xf32>
    %sub3A_10 = arith.subf %get3A_8, %sub3A : vector<512x2048xf32>
    %exp3A = math.exp %sub3A_10 : vector<512x2048xf32>
    %slice3A = vector.extract_strided_slice %exp3A {offsets = [0, 0], sizes = [8, 2048], strides = [1, 1]} : vector<512x2048xf32> to vector<8x2048xf32>
    %slice3A_11 = vector.extract_strided_slice %exp3A {offsets = [8, 0], sizes = [8, 2048], strides = [1, 1]} : vector<512x2048xf32> to vector<8x2048xf32>
    %add3A = arith.addf %slice3A, %slice3A_11 : vector<8x2048xf32>
    %slice3A_12 = vector.extract_strided_slice %exp3A {offsets = [16, 0], sizes = [8, 2048], strides = [1, 1]} : vector<512x2048xf32> to vector<8x2048xf32>
    %add3A_13 = arith.addf %add3A, %slice3A_12 : vector<8x2048xf32>
    %slice3A_14 = vector.extract_strided_slice %exp3A {offsets = [24, 0], sizes = [8, 2048], strides = [1, 1]} : vector<512x2048xf32> to vector<8x2048xf32>
    %add3A_15 = arith.addf %add3A_13, %slice3A_14 : vector<8x2048xf32>
    %slice3A_16 = vector.extract_strided_slice %exp3A {offsets = [32, 0], sizes = [8, 2048], strides = [1, 1]} : vector<512x2048xf32> to vector<8x2048xf32>
    %add3A_17 = arith.addf %add3A_15, %slice3A_16 : vector<8x2048xf32>
    %slice3A_18 = vector.extract_strided_slice %exp3A {offsets = [40, 0], sizes = [8, 2048], strides = [1, 1]} : vector<512x2048xf32> to vector<8x2048xf32>
    %add3A_19 = arith.addf %add3A_17, %slice3A_18 : vector<8x2048xf32>
    %slice3A_20 = vector.extract_strided_slice %exp3A {offsets = [48, 0], sizes = [8, 2048], strides = [1, 1]} : vector<512x2048xf32> to vector<8x2048xf32>
    %add3A_21 = arith.addf %add3A_19, %slice3A_20 : vector<8x2048xf32>
    %slice3A_22 = vector.extract_strided_slice %exp3A {offsets = [56, 0], sizes = [8, 2048], strides = [1, 1]} : vector<512x2048xf32> to vector<8x2048xf32>
    %add3A_23 = arith.addf %add3A_21, %slice3A_22 : vector<8x2048xf32>
    %slice3A_24 = vector.extract_strided_slice %exp3A {offsets = [64, 0], sizes = [8, 2048], strides = [1, 1]} : vector<512x2048xf32> to vector<8x2048xf32>
    %add3A_25 = arith.addf %add3A_23, %slice3A_24 : vector<8x2048xf32>
    %slice3A_26 = vector.extract_strided_slice %exp3A {offsets = [72, 0], sizes = [8, 2048], strides = [1, 1]} : vector<512x2048xf32> to vector<8x2048xf32>
    %add3A_27 = arith.addf %add3A_25, %slice3A_26 : vector<8x2048xf32>
    %slice3A_28 = vector.extract_strided_slice %exp3A {offsets = [80, 0], sizes = [8, 2048], strides = [1, 1]} : vector<512x2048xf32> to vector<8x2048xf32>
    %add3A_29 = arith.addf %add3A_27, %slice3A_28 : vector<8x2048xf32>
    %slice3A_30 = vector.extract_strided_slice %exp3A {offsets = [88, 0], sizes = [8, 2048], strides = [1, 1]} : vector<512x2048xf32> to vector<8x2048xf32>
    %add3A_31 = arith.addf %add3A_29, %slice3A_30 : vector<8x2048xf32>
    %slice3A_32 = vector.extract_strided_slice %exp3A {offsets = [96, 0], sizes = [8, 2048], strides = [1, 1]} : vector<512x2048xf32> to vector<8x2048xf32>
    %add3A_33 = arith.addf %add3A_31, %slice3A_32 : vector<8x2048xf32>
    %slice3A_34 = vector.extract_strided_slice %exp3A {offsets = [104, 0], sizes = [8, 2048], strides = [1, 1]} : vector<512x2048xf32> to vector<8x2048xf32>
    %add3A_35 = arith.addf %add3A_33, %slice3A_34 : vector<8x2048xf32>
    %slice3A_36 = vector.extract_strided_slice %exp3A {offsets = [112, 0], sizes = [8, 2048], strides = [1, 1]} : vector<512x2048xf32> to vector<8x2048xf32>
    %add3A_37 = arith.addf %add3A_35, %slice3A_36 : vector<8x2048xf32>
    %slice3A_38 = vector.extract_strided_slice %exp3A {offsets = [120, 0], sizes = [8, 2048], strides = [1, 1]} : vector<512x2048xf32> to vector<8x2048xf32>
    %add3A_39 = arith.addf %add3A_37, %slice3A_38 : vector<8x2048xf32>
    %slice3A_40 = vector.extract_strided_slice %exp3A {offsets = [128, 0], sizes = [8, 2048], strides = [1, 1]} : vector<512x2048xf32> to vector<8x2048xf32>
    %add3A_41 = arith.addf %add3A_39, %slice3A_40 : vector<8x2048xf32>
    %slice3A_42 = vector.extract_strided_slice %exp3A {offsets = [136, 0], sizes = [8, 2048], strides = [1, 1]} : vector<512x2048xf32> to vector<8x2048xf32>
    %add3A_43 = arith.addf %add3A_41, %slice3A_42 : vector<8x2048xf32>
    %slice3A_44 = vector.extract_strided_slice %exp3A {offsets = [144, 0], sizes = [8, 2048], strides = [1, 1]} : vector<512x2048xf32> to vector<8x2048xf32>
    %add3A_45 = arith.addf %add3A_43, %slice3A_44 : vector<8x2048xf32>
    %slice3A_46 = vector.extract_strided_slice %exp3A {offsets = [152, 0], sizes = [8, 2048], strides = [1, 1]} : vector<512x2048xf32> to vector<8x2048xf32>
    %add3A_47 = arith.addf %add3A_45, %slice3A_46 : vector<8x2048xf32>
    %slice3A_48 = vector.extract_strided_slice %exp3A {offsets = [160, 0], sizes = [8, 2048], strides = [1, 1]} : vector<512x2048xf32> to vector<8x2048xf32>
    %add3A_49 = arith.addf %add3A_47, %slice3A_48 : vector<8x2048xf32>
    %slice3A_50 = vector.extract_strided_slice %exp3A {offsets = [168, 0], sizes = [8, 2048], strides = [1, 1]} : vector<512x2048xf32> to vector<8x2048xf32>
    %add3A_51 = arith.addf %add3A_49, %slice3A_50 : vector<8x2048xf32>
    %slice3A_52 = vector.extract_strided_slice %exp3A {offsets = [176, 0], sizes = [8, 2048], strides = [1, 1]} : vector<512x2048xf32> to vector<8x2048xf32>
    %add3A_53 = arith.addf %add3A_51, %slice3A_52 : vector<8x2048xf32>
    %slice3A_54 = vector.extract_strided_slice %exp3A {offsets = [184, 0], sizes = [8, 2048], strides = [1, 1]} : vector<512x2048xf32> to vector<8x2048xf32>
    %add3A_55 = arith.addf %add3A_53, %slice3A_54 : vector<8x2048xf32>
    %slice3A_56 = vector.extract_strided_slice %exp3A {offsets = [192, 0], sizes = [8, 2048], strides = [1, 1]} : vector<512x2048xf32> to vector<8x2048xf32>
    %add3A_57 = arith.addf %add3A_55, %slice3A_56 : vector<8x2048xf32>
    %slice3A_58 = vector.extract_strided_slice %exp3A {offsets = [200, 0], sizes = [8, 2048], strides = [1, 1]} : vector<512x2048xf32> to vector<8x2048xf32>
    %add3A_59 = arith.addf %add3A_57, %slice3A_58 : vector<8x2048xf32>
    %slice3A_60 = vector.extract_strided_slice %exp3A {offsets = [208, 0], sizes = [8, 2048], strides = [1, 1]} : vector<512x2048xf32> to vector<8x2048xf32>
    %add3A_61 = arith.addf %add3A_59, %slice3A_60 : vector<8x2048xf32>
    %slice3A_62 = vector.extract_strided_slice %exp3A {offsets = [216, 0], sizes = [8, 2048], strides = [1, 1]} : vector<512x2048xf32> to vector<8x2048xf32>
    %add3A_63 = arith.addf %add3A_61, %slice3A_62 : vector<8x2048xf32>
    %slice3A_64 = vector.extract_strided_slice %exp3A {offsets = [224, 0], sizes = [8, 2048], strides = [1, 1]} : vector<512x2048xf32> to vector<8x2048xf32>
    %add3A_65 = arith.addf %add3A_63, %slice3A_64 : vector<8x2048xf32>
    %slice3A_66 = vector.extract_strided_slice %exp3A {offsets = [232, 0], sizes = [8, 2048], strides = [1, 1]} : vector<512x2048xf32> to vector<8x2048xf32>
    %add3A_67 = arith.addf %add3A_65, %slice3A_66 : vector<8x2048xf32>
    %slice3A_68 = vector.extract_strided_slice %exp3A {offsets = [240, 0], sizes = [8, 2048], strides = [1, 1]} : vector<512x2048xf32> to vector<8x2048xf32>
    %add3A_69 = arith.addf %add3A_67, %slice3A_68 : vector<8x2048xf32>
    %slice3A_70 = vector.extract_strided_slice %exp3A {offsets = [248, 0], sizes = [8, 2048], strides = [1, 1]} : vector<512x2048xf32> to vector<8x2048xf32>
    %add3A_71 = arith.addf %add3A_69, %slice3A_70 : vector<8x2048xf32>
    %slice3A_72 = vector.extract_strided_slice %exp3A {offsets = [256, 0], sizes = [8, 2048], strides = [1, 1]} : vector<512x2048xf32> to vector<8x2048xf32>
    %add3A_73 = arith.addf %add3A_71, %slice3A_72 : vector<8x2048xf32>
    %slice3A_74 = vector.extract_strided_slice %exp3A {offsets = [264, 0], sizes = [8, 2048], strides = [1, 1]} : vector<512x2048xf32> to vector<8x2048xf32>
    %add3A_75 = arith.addf %add3A_73, %slice3A_74 : vector<8x2048xf32>
    %slice3A_76 = vector.extract_strided_slice %exp3A {offsets = [272, 0], sizes = [8, 2048], strides = [1, 1]} : vector<512x2048xf32> to vector<8x2048xf32>
    %add3A_77 = arith.addf %add3A_75, %slice3A_76 : vector<8x2048xf32>
    %slice3A_78 = vector.extract_strided_slice %exp3A {offsets = [280, 0], sizes = [8, 2048], strides = [1, 1]} : vector<512x2048xf32> to vector<8x2048xf32>
    %add3A_79 = arith.addf %add3A_77, %slice3A_78 : vector<8x2048xf32>
    %slice3A_80 = vector.extract_strided_slice %exp3A {offsets = [288, 0], sizes = [8, 2048], strides = [1, 1]} : vector<512x2048xf32> to vector<8x2048xf32>
    %add3A_81 = arith.addf %add3A_79, %slice3A_80 : vector<8x2048xf32>
    %slice3A_82 = vector.extract_strided_slice %exp3A {offsets = [296, 0], sizes = [8, 2048], strides = [1, 1]} : vector<512x2048xf32> to vector<8x2048xf32>
    %add3A_83 = arith.addf %add3A_81, %slice3A_82 : vector<8x2048xf32>
    %slice3A_84 = vector.extract_strided_slice %exp3A {offsets = [304, 0], sizes = [8, 2048], strides = [1, 1]} : vector<512x2048xf32> to vector<8x2048xf32>
    %add3A_85 = arith.addf %add3A_83, %slice3A_84 : vector<8x2048xf32>
    %slice3A_86 = vector.extract_strided_slice %exp3A {offsets = [312, 0], sizes = [8, 2048], strides = [1, 1]} : vector<512x2048xf32> to vector<8x2048xf32>
    %add3A_87 = arith.addf %add3A_85, %slice3A_86 : vector<8x2048xf32>
    %slice3A_88 = vector.extract_strided_slice %exp3A {offsets = [320, 0], sizes = [8, 2048], strides = [1, 1]} : vector<512x2048xf32> to vector<8x2048xf32>
    %add3A_89 = arith.addf %add3A_87, %slice3A_88 : vector<8x2048xf32>
    %slice3A_90 = vector.extract_strided_slice %exp3A {offsets = [328, 0], sizes = [8, 2048], strides = [1, 1]} : vector<512x2048xf32> to vector<8x2048xf32>
    %add3A_91 = arith.addf %add3A_89, %slice3A_90 : vector<8x2048xf32>
    %slice3A_92 = vector.extract_strided_slice %exp3A {offsets = [336, 0], sizes = [8, 2048], strides = [1, 1]} : vector<512x2048xf32> to vector<8x2048xf32>
    %add3A_93 = arith.addf %add3A_91, %slice3A_92 : vector<8x2048xf32>
    %slice3A_94 = vector.extract_strided_slice %exp3A {offsets = [344, 0], sizes = [8, 2048], strides = [1, 1]} : vector<512x2048xf32> to vector<8x2048xf32>
    %add3A_95 = arith.addf %add3A_93, %slice3A_94 : vector<8x2048xf32>
    %slice3A_96 = vector.extract_strided_slice %exp3A {offsets = [352, 0], sizes = [8, 2048], strides = [1, 1]} : vector<512x2048xf32> to vector<8x2048xf32>
    %add3A_97 = arith.addf %add3A_95, %slice3A_96 : vector<8x2048xf32>
    %slice3A_98 = vector.extract_strided_slice %exp3A {offsets = [360, 0], sizes = [8, 2048], strides = [1, 1]} : vector<512x2048xf32> to vector<8x2048xf32>
    %add3A_99 = arith.addf %add3A_97, %slice3A_98 : vector<8x2048xf32>
    %slice3A_100 = vector.extract_strided_slice %exp3A {offsets = [368, 0], sizes = [8, 2048], strides = [1, 1]} : vector<512x2048xf32> to vector<8x2048xf32>
    %add3A_101 = arith.addf %add3A_99, %slice3A_100 : vector<8x2048xf32>
    %slice3A_102 = vector.extract_strided_slice %exp3A {offsets = [376, 0], sizes = [8, 2048], strides = [1, 1]} : vector<512x2048xf32> to vector<8x2048xf32>
    %add3A_103 = arith.addf %add3A_101, %slice3A_102 : vector<8x2048xf32>
    %slice3A_104 = vector.extract_strided_slice %exp3A {offsets = [384, 0], sizes = [8, 2048], strides = [1, 1]} : vector<512x2048xf32> to vector<8x2048xf32>
    %add3A_105 = arith.addf %add3A_103, %slice3A_104 : vector<8x2048xf32>
    %slice3A_106 = vector.extract_strided_slice %exp3A {offsets = [392, 0], sizes = [8, 2048], strides = [1, 1]} : vector<512x2048xf32> to vector<8x2048xf32>
    %add3A_107 = arith.addf %add3A_105, %slice3A_106 : vector<8x2048xf32>
    %slice3A_108 = vector.extract_strided_slice %exp3A {offsets = [400, 0], sizes = [8, 2048], strides = [1, 1]} : vector<512x2048xf32> to vector<8x2048xf32>
    %add3A_109 = arith.addf %add3A_107, %slice3A_108 : vector<8x2048xf32>
    %slice3A_110 = vector.extract_strided_slice %exp3A {offsets = [408, 0], sizes = [8, 2048], strides = [1, 1]} : vector<512x2048xf32> to vector<8x2048xf32>
    %add3A_111 = arith.addf %add3A_109, %slice3A_110 : vector<8x2048xf32>
    %slice3A_112 = vector.extract_strided_slice %exp3A {offsets = [416, 0], sizes = [8, 2048], strides = [1, 1]} : vector<512x2048xf32> to vector<8x2048xf32>
    %add3A_113 = arith.addf %add3A_111, %slice3A_112 : vector<8x2048xf32>
    %slice3A_114 = vector.extract_strided_slice %exp3A {offsets = [424, 0], sizes = [8, 2048], strides = [1, 1]} : vector<512x2048xf32> to vector<8x2048xf32>
    %add3A_115 = arith.addf %add3A_113, %slice3A_114 : vector<8x2048xf32>
    %slice3A_116 = vector.extract_strided_slice %exp3A {offsets = [432, 0], sizes = [8, 2048], strides = [1, 1]} : vector<512x2048xf32> to vector<8x2048xf32>
    %add3A_117 = arith.addf %add3A_115, %slice3A_116 : vector<8x2048xf32>
    %slice3A_118 = vector.extract_strided_slice %exp3A {offsets = [440, 0], sizes = [8, 2048], strides = [1, 1]} : vector<512x2048xf32> to vector<8x2048xf32>
    %add3A_119 = arith.addf %add3A_117, %slice3A_118 : vector<8x2048xf32>
    %slice3A_120 = vector.extract_strided_slice %exp3A {offsets = [448, 0], sizes = [8, 2048], strides = [1, 1]} : vector<512x2048xf32> to vector<8x2048xf32>
    %add3A_121 = arith.addf %add3A_119, %slice3A_120 : vector<8x2048xf32>
    %slice3A_122 = vector.extract_strided_slice %exp3A {offsets = [456, 0], sizes = [8, 2048], strides = [1, 1]} : vector<512x2048xf32> to vector<8x2048xf32>
    %add3A_123 = arith.addf %add3A_121, %slice3A_122 : vector<8x2048xf32>
    %slice3A_124 = vector.extract_strided_slice %exp3A {offsets = [464, 0], sizes = [8, 2048], strides = [1, 1]} : vector<512x2048xf32> to vector<8x2048xf32>
    %add3A_125 = arith.addf %add3A_123, %slice3A_124 : vector<8x2048xf32>
    %slice3A_126 = vector.extract_strided_slice %exp3A {offsets = [472, 0], sizes = [8, 2048], strides = [1, 1]} : vector<512x2048xf32> to vector<8x2048xf32>
    %add3A_127 = arith.addf %add3A_125, %slice3A_126 : vector<8x2048xf32>
    %slice3A_128 = vector.extract_strided_slice %exp3A {offsets = [480, 0], sizes = [8, 2048], strides = [1, 1]} : vector<512x2048xf32> to vector<8x2048xf32>
    %add3A_129 = arith.addf %add3A_127, %slice3A_128 : vector<8x2048xf32>
    %slice3A_130 = vector.extract_strided_slice %exp3A {offsets = [488, 0], sizes = [8, 2048], strides = [1, 1]} : vector<512x2048xf32> to vector<8x2048xf32>
    %add3A_131 = arith.addf %add3A_129, %slice3A_130 : vector<8x2048xf32>
    %slice3A_132 = vector.extract_strided_slice %exp3A {offsets = [496, 0], sizes = [8, 2048], strides = [1, 1]} : vector<512x2048xf32> to vector<8x2048xf32>
    %add3A_133 = arith.addf %add3A_131, %slice3A_132 : vector<8x2048xf32>
    %slice3A_134 = vector.extract_strided_slice %exp3A {offsets = [504, 0], sizes = [8, 2048], strides = [1, 1]} : vector<512x2048xf32> to vector<8x2048xf32>
    %add3A_135 = arith.addf %add3A_133, %slice3A_134 : vector<8x2048xf32>
    %slice3A_136 = vector.extract_strided_slice %add3A_135 {offsets = [0, 0], sizes = [4, 2048], strides = [1, 1]} : vector<8x2048xf32> to vector<4x2048xf32>
    %slice3A_137 = vector.extract_strided_slice %add3A_135 {offsets = [4, 0], sizes = [4, 2048], strides = [1, 1]} : vector<8x2048xf32> to vector<4x2048xf32>
    %add3A_138 = arith.addf %slice3A_136, %slice3A_137 : vector<4x2048xf32>
    %slice3A_139 = vector.extract_strided_slice %add3A_138 {offsets = [0, 0], sizes = [2, 2048], strides = [1, 1]} : vector<4x2048xf32> to vector<2x2048xf32>
    %slice3A_140 = vector.extract_strided_slice %add3A_138 {offsets = [2, 0], sizes = [2, 2048], strides = [1, 1]} : vector<4x2048xf32> to vector<2x2048xf32>
    %add3A_141 = arith.addf %slice3A_139, %slice3A_140 : vector<2x2048xf32>
    %slice3A_142 = vector.extract_strided_slice %add3A_141 {offsets = [0, 0], sizes = [1, 2048], strides = [1, 1]} : vector<2x2048xf32> to vector<1x2048xf32>
    %slice3A_143 = vector.extract_strided_slice %add3A_141 {offsets = [1, 0], sizes = [1, 2048], strides = [1, 1]} : vector<2x2048xf32> to vector<1x2048xf32>
    %add3A_144 = arith.addf %slice3A_142, %slice3A_143 : vector<1x2048xf32>
    %log3A = math.log %add3A_144 : vector<1x2048xf32>
    %add3A_145 = arith.addf %broadcast_in_dim3A, %log3A : vector<1x2048xf32>
    %sub3A_146 = vector.broadcast %add3A_145 : vector<1x2048xf32> to vector<512x2048xf32>
    %sub3A_147 = arith.subf %get3A_8, %sub3A_146 : vector<512x2048xf32>
    %exp3A_148 = math.exp %sub3A_147 : vector<512x2048xf32>
    %swap3A = arith.constant 0 : index
    %swap3A_149 = arith.constant 0 : index
    %swap3A_150 = vector.load %arg7[%swap3A, %swap3A_149] : memref<512x2048xf32, #tpu.memory_space<vmem>>, vector<512x2048xf32>
    tpu.vector_store %arg7[%swap3A, %swap3A_149], %exp3A_148 {strides = array<i32>} : memref<512x2048xf32, #tpu.memory_space<vmem>>, vector<512x2048xf32>,
    %slice3A_151 = vector.extract_strided_slice %exp3A_148 {offsets = [0, 0], sizes = [512, 128], strides = [1, 1]} : vector<512x2048xf32> to vector<512x128xf32>
    %slice3A_152 = vector.extract_strided_slice %exp3A_148 {offsets = [0, 128], sizes = [512, 128], strides = [1, 1]} : vector<512x2048xf32> to vector<512x128xf32>
    %add3A_153 = arith.addf %slice3A_151, %slice3A_152 : vector<512x128xf32>
    %slice3A_154 = vector.extract_strided_slice %exp3A_148 {offsets = [0, 256], sizes = [512, 128], strides = [1, 1]} : vector<512x2048xf32> to vector<512x128xf32>
    %add3A_155 = arith.addf %add3A_153, %slice3A_154 : vector<512x128xf32>
    %slice3A_156 = vector.extract_strided_slice %exp3A_148 {offsets = [0, 384], sizes = [512, 128], strides = [1, 1]} : vector<512x2048xf32> to vector<512x128xf32>
    %add3A_157 = arith.addf %add3A_155, %slice3A_156 : vector<512x128xf32>
    %slice3A_158 = vector.extract_strided_slice %exp3A_148 {offsets = [0, 512], sizes = [512, 128], strides = [1, 1]} : vector<512x2048xf32> to vector<512x128xf32>
    %add3A_159 = arith.addf %add3A_157, %slice3A_158 : vector<512x128xf32>
    %slice3A_160 = vector.extract_strided_slice %exp3A_148 {offsets = [0, 640], sizes = [512, 128], strides = [1, 1]} : vector<512x2048xf32> to vector<512x128xf32>
    %add3A_161 = arith.addf %add3A_159, %slice3A_160 : vector<512x128xf32>
    %slice3A_162 = vector.extract_strided_slice %exp3A_148 {offsets = [0, 768], sizes = [512, 128], strides = [1, 1]} : vector<512x2048xf32> to vector<512x128xf32>
    %add3A_163 = arith.addf %add3A_161, %slice3A_162 : vector<512x128xf32>
    %slice3A_164 = vector.extract_strided_slice %exp3A_148 {offsets = [0, 896], sizes = [512, 128], strides = [1, 1]} : vector<512x2048xf32> to vector<512x128xf32>
    %add3A_165 = arith.addf %add3A_163, %slice3A_164 : vector<512x128xf32>
    %slice3A_166 = vector.extract_strided_slice %exp3A_148 {offsets = [0, 1024], sizes = [512, 128], strides = [1, 1]} : vector<512x2048xf32> to vector<512x128xf32>
    %add3A_167 = arith.addf %add3A_165, %slice3A_166 : vector<512x128xf32>
    %slice3A_168 = vector.extract_strided_slice %exp3A_148 {offsets = [0, 1152], sizes = [512, 128], strides = [1, 1]} : vector<512x2048xf32> to vector<512x128xf32>
    %add3A_169 = arith.addf %add3A_167, %slice3A_168 : vector<512x128xf32>
    %slice3A_170 = vector.extract_strided_slice %exp3A_148 {offsets = [0, 1280], sizes = [512, 128], strides = [1, 1]} : vector<512x2048xf32> to vector<512x128xf32>
    %add3A_171 = arith.addf %add3A_169, %slice3A_170 : vector<512x128xf32>
    %slice3A_172 = vector.extract_strided_slice %exp3A_148 {offsets = [0, 1408], sizes = [512, 128], strides = [1, 1]} : vector<512x2048xf32> to vector<512x128xf32>
    %add3A_173 = arith.addf %add3A_171, %slice3A_172 : vector<512x128xf32>
    %slice3A_174 = vector.extract_strided_slice %exp3A_148 {offsets = [0, 1536], sizes = [512, 128], strides = [1, 1]} : vector<512x2048xf32> to vector<512x128xf32>
    %add3A_175 = arith.addf %add3A_173, %slice3A_174 : vector<512x128xf32>
    %slice3A_176 = vector.extract_strided_slice %exp3A_148 {offsets = [0, 1664], sizes = [512, 128], strides = [1, 1]} : vector<512x2048xf32> to vector<512x128xf32>
    %add3A_177 = arith.addf %add3A_175, %slice3A_176 : vector<512x128xf32>
    %slice3A_178 = vector.extract_strided_slice %exp3A_148 {offsets = [0, 1792], sizes = [512, 128], strides = [1, 1]} : vector<512x2048xf32> to vector<512x128xf32>
    %add3A_179 = arith.addf %add3A_177, %slice3A_178 : vector<512x128xf32>
    %slice3A_180 = vector.extract_strided_slice %exp3A_148 {offsets = [0, 1920], sizes = [512, 128], strides = [1, 1]} : vector<512x2048xf32> to vector<512x128xf32>
    %add3A_181 = arith.addf %add3A_179, %slice3A_180 : vector<512x128xf32>
    %slice3A_182 = vector.extract_strided_slice %add3A_181 {offsets = [0, 0], sizes = [512, 8], strides = [1, 1]} : vector<512x128xf32> to vector<512x8xf32>
    %slice3A_183 = vector.extract_strided_slice %add3A_181 {offsets = [0, 8], sizes = [512, 8], strides = [1, 1]} : vector<512x128xf32> to vector<512x8xf32>
    %add3A_184 = arith.addf %slice3A_182, %slice3A_183 : vector<512x8xf32>
    %slice3A_185 = vector.extract_strided_slice %add3A_181 {offsets = [0, 16], sizes = [512, 8], strides = [1, 1]} : vector<512x128xf32> to vector<512x8xf32>
    %add3A_186 = arith.addf %add3A_184, %slice3A_185 : vector<512x8xf32>
    %slice3A_187 = vector.extract_strided_slice %add3A_181 {offsets = [0, 24], sizes = [512, 8], strides = [1, 1]} : vector<512x128xf32> to vector<512x8xf32>
    %add3A_188 = arith.addf %add3A_186, %slice3A_187 : vector<512x8xf32>
    %slice3A_189 = vector.extract_strided_slice %add3A_181 {offsets = [0, 32], sizes = [512, 8], strides = [1, 1]} : vector<512x128xf32> to vector<512x8xf32>
    %add3A_190 = arith.addf %add3A_188, %slice3A_189 : vector<512x8xf32>
    %slice3A_191 = vector.extract_strided_slice %add3A_181 {offsets = [0, 40], sizes = [512, 8], strides = [1, 1]} : vector<512x128xf32> to vector<512x8xf32>
    %add3A_192 = arith.addf %add3A_190, %slice3A_191 : vector<512x8xf32>
    %slice3A_193 = vector.extract_strided_slice %add3A_181 {offsets = [0, 48], sizes = [512, 8], strides = [1, 1]} : vector<512x128xf32> to vector<512x8xf32>
    %add3A_194 = arith.addf %add3A_192, %slice3A_193 : vector<512x8xf32>
    %slice3A_195 = vector.extract_strided_slice %add3A_181 {offsets = [0, 56], sizes = [512, 8], strides = [1, 1]} : vector<512x128xf32> to vector<512x8xf32>
    %add3A_196 = arith.addf %add3A_194, %slice3A_195 : vector<512x8xf32>
    %slice3A_197 = vector.extract_strided_slice %add3A_181 {offsets = [0, 64], sizes = [512, 8], strides = [1, 1]} : vector<512x128xf32> to vector<512x8xf32>
    %add3A_198 = arith.addf %add3A_196, %slice3A_197 : vector<512x8xf32>
    %slice3A_199 = vector.extract_strided_slice %add3A_181 {offsets = [0, 72], sizes = [512, 8], strides = [1, 1]} : vector<512x128xf32> to vector<512x8xf32>
    %add3A_200 = arith.addf %add3A_198, %slice3A_199 : vector<512x8xf32>
    %slice3A_201 = vector.extract_strided_slice %add3A_181 {offsets = [0, 80], sizes = [512, 8], strides = [1, 1]} : vector<512x128xf32> to vector<512x8xf32>
    %add3A_202 = arith.addf %add3A_200, %slice3A_201 : vector<512x8xf32>
    %slice3A_203 = vector.extract_strided_slice %add3A_181 {offsets = [0, 88], sizes = [512, 8], strides = [1, 1]} : vector<512x128xf32> to vector<512x8xf32>
    %add3A_204 = arith.addf %add3A_202, %slice3A_203 : vector<512x8xf32>
    %slice3A_205 = vector.extract_strided_slice %add3A_181 {offsets = [0, 96], sizes = [512, 8], strides = [1, 1]} : vector<512x128xf32> to vector<512x8xf32>
    %add3A_206 = arith.addf %add3A_204, %slice3A_205 : vector<512x8xf32>
    %slice3A_207 = vector.extract_strided_slice %add3A_181 {offsets = [0, 104], sizes = [512, 8], strides = [1, 1]} : vector<512x128xf32> to vector<512x8xf32>
    %add3A_208 = arith.addf %add3A_206, %slice3A_207 : vector<512x8xf32>
    %slice3A_209 = vector.extract_strided_slice %add3A_181 {offsets = [0, 112], sizes = [512, 8], strides = [1, 1]} : vector<512x128xf32> to vector<512x8xf32>
    %add3A_210 = arith.addf %add3A_208, %slice3A_209 : vector<512x8xf32>
    %slice3A_211 = vector.extract_strided_slice %add3A_181 {offsets = [0, 120], sizes = [512, 8], strides = [1, 1]} : vector<512x128xf32> to vector<512x8xf32>
    %add3A_212 = arith.addf %add3A_210, %slice3A_211 : vector<512x8xf32>
    %slice3A_213 = vector.extract_strided_slice %add3A_212 {offsets = [0, 0], sizes = [512, 4], strides = [1, 1]} : vector<512x8xf32> to vector<512x4xf32>
    %slice3A_214 = vector.extract_strided_slice %add3A_212 {offsets = [0, 4], sizes = [512, 4], strides = [1, 1]} : vector<512x8xf32> to vector<512x4xf32>
    %add3A_215 = arith.addf %slice3A_213, %slice3A_214 : vector<512x4xf32>
    %slice3A_216 = vector.extract_strided_slice %add3A_215 {offsets = [0, 0], sizes = [512, 2], strides = [1, 1]} : vector<512x4xf32> to vector<512x2xf32>
    %slice3A_217 = vector.extract_strided_slice %add3A_215 {offsets = [0, 2], sizes = [512, 2], strides = [1, 1]} : vector<512x4xf32> to vector<512x2xf32>
    %add3A_218 = arith.addf %slice3A_216, %slice3A_217 : vector<512x2xf32>
    %slice3A_219 = vector.extract_strided_slice %add3A_218 {offsets = [0, 0], sizes = [512, 1], strides = [1, 1]} : vector<512x2xf32> to vector<512x1xf32>
    %slice3A_220 = vector.extract_strided_slice %add3A_218 {offsets = [0, 1], sizes = [512, 1], strides = [1, 1]} : vector<512x2xf32> to vector<512x1xf32>
    %add3A_221 = arith.addf %slice3A_219, %slice3A_220 : vector<512x1xf32>
    %add3A_222 = arith.constant 9.99999997E-7 : f32
    %add3A_223 = vector.broadcast %add3A_222 : f32 to vector<512x1xf32>
    %add3A_224 = arith.addf %add3A_221, %add3A_223 : vector<512x1xf32>
    %swap3A_225 = arith.constant 0 : index
    %swap3A_226 = arith.constant 0 : index
    %swap3A_227 = vector.load %arg8[%swap3A_225, %swap3A_226] : memref<512x1xf32, #tpu.memory_space<vmem>>, vector<512x1xf32>
    tpu.vector_store %arg8[%swap3A_225, %swap3A_226], %add3A_224 {strides = array<i32>} : memref<512x1xf32, #tpu.memory_space<vmem>>, vector<512x1xf32>,
    %convert_element_type3A = arith.truncf %exp3A_148 : vector<512x2048xf32> to vector<512x2048xbf16>
    %get3A_228 = arith.constant 0 : index
    %get3A_229 = arith.constant 0 : index
    %get3A_230 = vector.load %arg0[%get3A_228, %get3A_229] : memref<2048x64xf32, #tpu.memory_space<vmem>>, vector<2048x64xf32>
    %convert_element_type3A_231 = arith.truncf %get3A_230 : vector<2048x64xf32> to vector<2048x64xbf16>
    %dot_general3A = arith.constant dense<0.000000e+00> : vector<512x64xf32>
    %dot_general3A_232 = tpu.matmul %convert_element_type3A, %convert_element_type3A_231, %dot_general3A {dimension_numbers = #tpu.dot_dimension_numbers<[1], [0], [0], [1], [0, 0, 1, 1], [], []>, transpose_lhs_hint = false} : vector<512x2048xbf16>, vector<2048x64xbf16>, vector<512x64xf32> -> vector<512x64xf32>
    %get3A_233 = arith.constant 0 : index
    %get3A_234 = arith.constant 0 : index
    %get3A_235 = vector.load %arg8[%get3A_233, %get3A_234] : memref<512x1xf32, #tpu.memory_space<vmem>>, vector<512x1xf32>
    %div3A = vector.broadcast %get3A_235 : vector<512x1xf32> to vector<512x64xf32>
    %div3A_236 = arith.divf %dot_general3A_232, %div3A : vector<512x64xf32>
    %swap3A_237 = arith.constant 0 : index
    %swap3A_238 = arith.constant 0 : index
    %swap3A_239 = vector.load %arg4[%swap3A_237, %swap3A_238] : memref<512x64xf32, #tpu.memory_space<vmem>>, vector<512x64xf32>
    tpu.vector_store %arg4[%swap3A_237, %swap3A_238], %div3A_236 {strides = array<i32>} : memref<512x64xf32, #tpu.memory_space<vmem>>, vector<512x64xf32>,
    %get3A_240 = arith.constant 0 : index
    %get3A_241 = arith.constant 0 : index
    %get3A_242 = vector.load %arg1[%get3A_240, %get3A_241] : memref<64x2048xf32, #tpu.memory_space<vmem>>, vector<64x2048xf32>
    %scan3A_243 = arith.constant 0 : i32
    %scan3A_244 = arith.constant 16 : i32
    %scan3A_245 = arith.addi %scan3A_243, %scan3A_244 : i32
    %scan3A_246 = arith.constant 1 : i32
    scf.for %scan3A_248 = %scan3A_243 to %scan3A_245 step %scan3A_246  : i32 {
      %mul3A = arith.constant 32 : i32
      %mul3A_249 = arith.muli %scan3A_248, %mul3A : i32
      %multiple_of3A = tpu.assume_multiple %mul3A_249, 8 : i32
      %get3A_250 = arith.index_cast %multiple_of3A : i32 to index
      %get3A_251 = arith.constant 0 : index
      %get3A_252 = vector.load %arg4[%get3A_250, %get3A_251] : memref<512x64xf32, #tpu.memory_space<vmem>>, vector<32x64xf32>
      %broadcast_in_dim3A_253 = vector.shape_cast %get3A_252 : vector<32x64xf32> to vector<32x64x1xf32>
      %broadcast_in_dim3A_254 = vector.shape_cast %get3A_242 : vector<64x2048xf32> to vector<1x64x2048xf32>
      %sub3A_255 = vector.broadcast %broadcast_in_dim3A_254 : vector<1x64x2048xf32> to vector<32x64x2048xf32>
      %sub3A_256 = vector.broadcast %broadcast_in_dim3A_253 : vector<32x64x1xf32> to vector<32x64x2048xf32>
      %sub3A_257 = arith.subf %sub3A_255, %sub3A_256 : vector<32x64x2048xf32>
      %integer_pow3A = arith.mulf %sub3A_257, %sub3A_257 : vector<32x64x2048xf32>
      %convert_element_type3A_258 = arith.truncf %integer_pow3A : vector<32x64x2048xf32> to vector<32x64x2048xbf16>
      %get3A_259 = arith.index_cast %multiple_of3A : i32 to index
      %get3A_260 = arith.constant 0 : index
      %get3A_261 = vector.load %arg7[%get3A_259, %get3A_260] : memref<512x2048xf32, #tpu.memory_space<vmem>>, vector<32x2048xf32>
      %convert_element_type3A_262 = arith.truncf %get3A_261 : vector<32x2048xf32> to vector<32x2048xbf16>
      %broadcast_in_dim3A_263 = vector.shape_cast %convert_element_type3A_262 : vector<32x2048xbf16> to vector<32x1x2048xbf16>
      %dot_general3A_264 = arith.constant dense<0.000000e+00> : vector<32x1x64xf32>
      %dot_general3A_265 = tpu.matmul %broadcast_in_dim3A_263, %convert_element_type3A_258, %dot_general3A_264 {dimension_numbers = #tpu.dot_dimension_numbers<[2], [2], [1], [1], [0, 0, 0, 1, 1, 1], [0], [0]>, transpose_lhs_hint = false} : vector<32x1x2048xbf16>, vector<32x64x2048xbf16>, vector<32x1x64xf32> -> vector<32x1x64xf32>
      %squeeze3A = vector.shape_cast %dot_general3A_265 : vector<32x1x64xf32> to vector<32x64xf32>
      %get3A_266 = arith.index_cast %multiple_of3A : i32 to index
      %get3A_267 = arith.constant 0 : index
      %get3A_268 = vector.load %arg8[%get3A_266, %get3A_267] : memref<512x1xf32, #tpu.memory_space<vmem>>, vector<32x1xf32>
      %div3A_269 = vector.broadcast %get3A_268 : vector<32x1xf32> to vector<32x64xf32>
      %div3A_270 = arith.divf %squeeze3A, %div3A_269 : vector<32x64xf32>
      %max3A = arith.constant 9.99999997E-7 : f32
      %max3A_271 = vector.broadcast %max3A : f32 to vector<32x64xf32>
      %max3A_272 = arith.maximumf %div3A_270, %max3A_271 : vector<32x64xf32>
      %log3A_273 = math.log %max3A_272 : vector<32x64xf32>
      %swap3A_274 = arith.index_cast %multiple_of3A : i32 to index
      %swap3A_275 = arith.constant 0 : index
      %swap3A_276 = vector.load %arg5[%swap3A_274, %swap3A_275] : memref<512x64xf32, #tpu.memory_space<vmem>>, vector<32x64xf32>
      tpu.vector_store %arg5[%swap3A_274, %swap3A_275], %log3A_273 {strides = array<i32>} : memref<512x64xf32, #tpu.memory_space<vmem>>, vector<32x64xf32>,
    }
    %scan3A_247 = arith.constant 16 : i32
    return
  }
}

module attributes {stable_mosaic.version = 14 : i64} {
  func.func @_final_body(%arg0: memref<64x2048xf32, #tpu.memory_space<vmem>>, %arg1: memref<512x64xf32, #tpu.memory_space<vmem>>, %arg2: memref<512x64xf32, #tpu.memory_space<vmem>>, %arg3: memref<512x64xf32, #tpu.memory_space<vmem>>, %arg4: memref<2048x512xf32, #tpu.memory_space<vmem>>, %arg5: memref<512x64xf32, #tpu.memory_space<vmem>>, %arg6: memref<2048x1xi32, #tpu.memory_space<vmem>>, %arg7: memref<512x2048xf32, #tpu.memory_space<vmem>>) attributes {dimension_semantics = [], scalar_prefetch = 0 : i64, scratch_operands = 1 : i64, tpu.core_type = #tpu.core_type<tc>} {
    %get3A = arith.constant 0 : index
    %get3A_0 = arith.constant 0 : index
    %get3A_1 = vector.load %arg0[%get3A, %get3A_0] : memref<64x2048xf32, #tpu.memory_space<vmem>>, vector<64x2048xf32>
    %scan3A = arith.constant 0 : i32
    %scan3A_2 = arith.constant 32 : i32
    %scan3A_3 = arith.addi %scan3A, %scan3A_2 : i32
    %scan3A_4 = arith.constant 1 : i32
    scf.for %scan3A_37 = %scan3A to %scan3A_3 step %scan3A_4  : i32 {
      %mul3A_38 = arith.constant 16 : i32
      %mul3A_39 = arith.muli %scan3A_37, %mul3A_38 : i32
      %multiple_of3A = tpu.assume_multiple %mul3A_39, 8 : i32
      %get3A_40 = arith.index_cast %multiple_of3A : i32 to index
      %get3A_41 = arith.constant 0 : index
      %get3A_42 = vector.load %arg1[%get3A_40, %get3A_41] : memref<512x64xf32, #tpu.memory_space<vmem>>, vector<16x64xf32>
      %broadcast_in_dim3A_43 = vector.shape_cast %get3A_42 : vector<16x64xf32> to vector<16x64x1xf32>
      %get3A_44 = arith.index_cast %multiple_of3A : i32 to index
      %get3A_45 = arith.constant 0 : index
      %get3A_46 = vector.load %arg2[%get3A_44, %get3A_45] : memref<512x64xf32, #tpu.memory_space<vmem>>, vector<16x64xf32>
      %broadcast_in_dim3A_47 = vector.shape_cast %get3A_46 : vector<16x64xf32> to vector<16x64x1xf32>
      %broadcast_in_dim3A_48 = vector.shape_cast %get3A_1 : vector<64x2048xf32> to vector<1x64x2048xf32>
      %sub3A = vector.broadcast %broadcast_in_dim3A_48 : vector<1x64x2048xf32> to vector<16x64x2048xf32>
      %sub3A_49 = vector.broadcast %broadcast_in_dim3A_43 : vector<16x64x1xf32> to vector<16x64x2048xf32>
      %sub3A_50 = arith.subf %sub3A, %sub3A_49 : vector<16x64x2048xf32>
      %integer_pow3A = arith.mulf %sub3A_50, %sub3A_50 : vector<16x64x2048xf32>
      %exp3A_51 = math.exp %broadcast_in_dim3A_47 : vector<16x64x1xf32>
      %div3A = vector.broadcast %exp3A_51 : vector<16x64x1xf32> to vector<16x64x2048xf32>
      %div3A_52 = arith.divf %integer_pow3A, %div3A : vector<16x64x2048xf32>
      %add3A_53 = vector.broadcast %broadcast_in_dim3A_47 : vector<16x64x1xf32> to vector<16x64x2048xf32>
      %add3A_54 = arith.addf %add3A_53, %div3A_52 : vector<16x64x2048xf32>
      %mul3A_55 = arith.constant -5.000000e-01 : f32
      %mul3A_56 = vector.broadcast %mul3A_55 : f32 to vector<16x64x2048xf32>
      %mul3A_57 = arith.mulf %mul3A_56, %add3A_54 : vector<16x64x2048xf32>
      %add3A_58 = arith.constant -0.918938517 : f32
      %add3A_59 = vector.broadcast %add3A_58 : f32 to vector<16x64x2048xf32>
      %add3A_60 = arith.addf %mul3A_57, %add3A_59 : vector<16x64x2048xf32>
      %slice3A = vector.extract_strided_slice %add3A_60 {offsets = [0, 0, 0], sizes = [16, 8, 2048], strides = [1, 1, 1]} : vector<16x64x2048xf32> to vector<16x8x2048xf32>
      %slice3A_61 = vector.extract_strided_slice %slice3A {offsets = [0, 0, 0], sizes = [16, 4, 2048], strides = [1, 1, 1]} : vector<16x8x2048xf32> to vector<16x4x2048xf32>
      %slice3A_62 = vector.extract_strided_slice %slice3A {offsets = [0, 4, 0], sizes = [16, 4, 2048], strides = [1, 1, 1]} : vector<16x8x2048xf32> to vector<16x4x2048xf32>
      %add3A_63 = arith.addf %slice3A_61, %slice3A_62 : vector<16x4x2048xf32>
      %slice3A_64 = vector.extract_strided_slice %add3A_63 {offsets = [0, 0, 0], sizes = [16, 2, 2048], strides = [1, 1, 1]} : vector<16x4x2048xf32> to vector<16x2x2048xf32>
      %slice3A_65 = vector.extract_strided_slice %add3A_63 {offsets = [0, 2, 0], sizes = [16, 2, 2048], strides = [1, 1, 1]} : vector<16x4x2048xf32> to vector<16x2x2048xf32>
      %add3A_66 = arith.addf %slice3A_64, %slice3A_65 : vector<16x2x2048xf32>
      %slice3A_67 = vector.extract_strided_slice %add3A_66 {offsets = [0, 0, 0], sizes = [16, 1, 2048], strides = [1, 1, 1]} : vector<16x2x2048xf32> to vector<16x1x2048xf32>
      %slice3A_68 = vector.extract_strided_slice %add3A_66 {offsets = [0, 1, 0], sizes = [16, 1, 2048], strides = [1, 1, 1]} : vector<16x2x2048xf32> to vector<16x1x2048xf32>
      %add3A_69 = arith.addf %slice3A_67, %slice3A_68 : vector<16x1x2048xf32>
      %slice3A_70 = vector.extract_strided_slice %add3A_60 {offsets = [0, 8, 0], sizes = [16, 8, 2048], strides = [1, 1, 1]} : vector<16x64x2048xf32> to vector<16x8x2048xf32>
      %slice3A_71 = vector.extract_strided_slice %slice3A_70 {offsets = [0, 0, 0], sizes = [16, 4, 2048], strides = [1, 1, 1]} : vector<16x8x2048xf32> to vector<16x4x2048xf32>
      %slice3A_72 = vector.extract_strided_slice %slice3A_70 {offsets = [0, 4, 0], sizes = [16, 4, 2048], strides = [1, 1, 1]} : vector<16x8x2048xf32> to vector<16x4x2048xf32>
      %add3A_73 = arith.addf %slice3A_71, %slice3A_72 : vector<16x4x2048xf32>
      %slice3A_74 = vector.extract_strided_slice %add3A_73 {offsets = [0, 0, 0], sizes = [16, 2, 2048], strides = [1, 1, 1]} : vector<16x4x2048xf32> to vector<16x2x2048xf32>
      %slice3A_75 = vector.extract_strided_slice %add3A_73 {offsets = [0, 2, 0], sizes = [16, 2, 2048], strides = [1, 1, 1]} : vector<16x4x2048xf32> to vector<16x2x2048xf32>
      %add3A_76 = arith.addf %slice3A_74, %slice3A_75 : vector<16x2x2048xf32>
      %slice3A_77 = vector.extract_strided_slice %add3A_76 {offsets = [0, 0, 0], sizes = [16, 1, 2048], strides = [1, 1, 1]} : vector<16x2x2048xf32> to vector<16x1x2048xf32>
      %slice3A_78 = vector.extract_strided_slice %add3A_76 {offsets = [0, 1, 0], sizes = [16, 1, 2048], strides = [1, 1, 1]} : vector<16x2x2048xf32> to vector<16x1x2048xf32>
      %add3A_79 = arith.addf %slice3A_77, %slice3A_78 : vector<16x1x2048xf32>
      %add3A_80 = arith.addf %add3A_69, %add3A_79 : vector<16x1x2048xf32>
      %slice3A_81 = vector.extract_strided_slice %add3A_60 {offsets = [0, 16, 0], sizes = [16, 8, 2048], strides = [1, 1, 1]} : vector<16x64x2048xf32> to vector<16x8x2048xf32>
      %slice3A_82 = vector.extract_strided_slice %slice3A_81 {offsets = [0, 0, 0], sizes = [16, 4, 2048], strides = [1, 1, 1]} : vector<16x8x2048xf32> to vector<16x4x2048xf32>
      %slice3A_83 = vector.extract_strided_slice %slice3A_81 {offsets = [0, 4, 0], sizes = [16, 4, 2048], strides = [1, 1, 1]} : vector<16x8x2048xf32> to vector<16x4x2048xf32>
      %add3A_84 = arith.addf %slice3A_82, %slice3A_83 : vector<16x4x2048xf32>
      %slice3A_85 = vector.extract_strided_slice %add3A_84 {offsets = [0, 0, 0], sizes = [16, 2, 2048], strides = [1, 1, 1]} : vector<16x4x2048xf32> to vector<16x2x2048xf32>
      %slice3A_86 = vector.extract_strided_slice %add3A_84 {offsets = [0, 2, 0], sizes = [16, 2, 2048], strides = [1, 1, 1]} : vector<16x4x2048xf32> to vector<16x2x2048xf32>
      %add3A_87 = arith.addf %slice3A_85, %slice3A_86 : vector<16x2x2048xf32>
      %slice3A_88 = vector.extract_strided_slice %add3A_87 {offsets = [0, 0, 0], sizes = [16, 1, 2048], strides = [1, 1, 1]} : vector<16x2x2048xf32> to vector<16x1x2048xf32>
      %slice3A_89 = vector.extract_strided_slice %add3A_87 {offsets = [0, 1, 0], sizes = [16, 1, 2048], strides = [1, 1, 1]} : vector<16x2x2048xf32> to vector<16x1x2048xf32>
      %add3A_90 = arith.addf %slice3A_88, %slice3A_89 : vector<16x1x2048xf32>
      %add3A_91 = arith.addf %add3A_80, %add3A_90 : vector<16x1x2048xf32>
      %slice3A_92 = vector.extract_strided_slice %add3A_60 {offsets = [0, 24, 0], sizes = [16, 8, 2048], strides = [1, 1, 1]} : vector<16x64x2048xf32> to vector<16x8x2048xf32>
      %slice3A_93 = vector.extract_strided_slice %slice3A_92 {offsets = [0, 0, 0], sizes = [16, 4, 2048], strides = [1, 1, 1]} : vector<16x8x2048xf32> to vector<16x4x2048xf32>
      %slice3A_94 = vector.extract_strided_slice %slice3A_92 {offsets = [0, 4, 0], sizes = [16, 4, 2048], strides = [1, 1, 1]} : vector<16x8x2048xf32> to vector<16x4x2048xf32>
      %add3A_95 = arith.addf %slice3A_93, %slice3A_94 : vector<16x4x2048xf32>
      %slice3A_96 = vector.extract_strided_slice %add3A_95 {offsets = [0, 0, 0], sizes = [16, 2, 2048], strides = [1, 1, 1]} : vector<16x4x2048xf32> to vector<16x2x2048xf32>
      %slice3A_97 = vector.extract_strided_slice %add3A_95 {offsets = [0, 2, 0], sizes = [16, 2, 2048], strides = [1, 1, 1]} : vector<16x4x2048xf32> to vector<16x2x2048xf32>
      %add3A_98 = arith.addf %slice3A_96, %slice3A_97 : vector<16x2x2048xf32>
      %slice3A_99 = vector.extract_strided_slice %add3A_98 {offsets = [0, 0, 0], sizes = [16, 1, 2048], strides = [1, 1, 1]} : vector<16x2x2048xf32> to vector<16x1x2048xf32>
      %slice3A_100 = vector.extract_strided_slice %add3A_98 {offsets = [0, 1, 0], sizes = [16, 1, 2048], strides = [1, 1, 1]} : vector<16x2x2048xf32> to vector<16x1x2048xf32>
      %add3A_101 = arith.addf %slice3A_99, %slice3A_100 : vector<16x1x2048xf32>
      %add3A_102 = arith.addf %add3A_91, %add3A_101 : vector<16x1x2048xf32>
      %slice3A_103 = vector.extract_strided_slice %add3A_60 {offsets = [0, 32, 0], sizes = [16, 8, 2048], strides = [1, 1, 1]} : vector<16x64x2048xf32> to vector<16x8x2048xf32>
      %slice3A_104 = vector.extract_strided_slice %slice3A_103 {offsets = [0, 0, 0], sizes = [16, 4, 2048], strides = [1, 1, 1]} : vector<16x8x2048xf32> to vector<16x4x2048xf32>
      %slice3A_105 = vector.extract_strided_slice %slice3A_103 {offsets = [0, 4, 0], sizes = [16, 4, 2048], strides = [1, 1, 1]} : vector<16x8x2048xf32> to vector<16x4x2048xf32>
      %add3A_106 = arith.addf %slice3A_104, %slice3A_105 : vector<16x4x2048xf32>
      %slice3A_107 = vector.extract_strided_slice %add3A_106 {offsets = [0, 0, 0], sizes = [16, 2, 2048], strides = [1, 1, 1]} : vector<16x4x2048xf32> to vector<16x2x2048xf32>
      %slice3A_108 = vector.extract_strided_slice %add3A_106 {offsets = [0, 2, 0], sizes = [16, 2, 2048], strides = [1, 1, 1]} : vector<16x4x2048xf32> to vector<16x2x2048xf32>
      %add3A_109 = arith.addf %slice3A_107, %slice3A_108 : vector<16x2x2048xf32>
      %slice3A_110 = vector.extract_strided_slice %add3A_109 {offsets = [0, 0, 0], sizes = [16, 1, 2048], strides = [1, 1, 1]} : vector<16x2x2048xf32> to vector<16x1x2048xf32>
      %slice3A_111 = vector.extract_strided_slice %add3A_109 {offsets = [0, 1, 0], sizes = [16, 1, 2048], strides = [1, 1, 1]} : vector<16x2x2048xf32> to vector<16x1x2048xf32>
      %add3A_112 = arith.addf %slice3A_110, %slice3A_111 : vector<16x1x2048xf32>
      %add3A_113 = arith.addf %add3A_102, %add3A_112 : vector<16x1x2048xf32>
      %slice3A_114 = vector.extract_strided_slice %add3A_60 {offsets = [0, 40, 0], sizes = [16, 8, 2048], strides = [1, 1, 1]} : vector<16x64x2048xf32> to vector<16x8x2048xf32>
      %slice3A_115 = vector.extract_strided_slice %slice3A_114 {offsets = [0, 0, 0], sizes = [16, 4, 2048], strides = [1, 1, 1]} : vector<16x8x2048xf32> to vector<16x4x2048xf32>
      %slice3A_116 = vector.extract_strided_slice %slice3A_114 {offsets = [0, 4, 0], sizes = [16, 4, 2048], strides = [1, 1, 1]} : vector<16x8x2048xf32> to vector<16x4x2048xf32>
      %add3A_117 = arith.addf %slice3A_115, %slice3A_116 : vector<16x4x2048xf32>
      %slice3A_118 = vector.extract_strided_slice %add3A_117 {offsets = [0, 0, 0], sizes = [16, 2, 2048], strides = [1, 1, 1]} : vector<16x4x2048xf32> to vector<16x2x2048xf32>
      %slice3A_119 = vector.extract_strided_slice %add3A_117 {offsets = [0, 2, 0], sizes = [16, 2, 2048], strides = [1, 1, 1]} : vector<16x4x2048xf32> to vector<16x2x2048xf32>
      %add3A_120 = arith.addf %slice3A_118, %slice3A_119 : vector<16x2x2048xf32>
      %slice3A_121 = vector.extract_strided_slice %add3A_120 {offsets = [0, 0, 0], sizes = [16, 1, 2048], strides = [1, 1, 1]} : vector<16x2x2048xf32> to vector<16x1x2048xf32>
      %slice3A_122 = vector.extract_strided_slice %add3A_120 {offsets = [0, 1, 0], sizes = [16, 1, 2048], strides = [1, 1, 1]} : vector<16x2x2048xf32> to vector<16x1x2048xf32>
      %add3A_123 = arith.addf %slice3A_121, %slice3A_122 : vector<16x1x2048xf32>
      %add3A_124 = arith.addf %add3A_113, %add3A_123 : vector<16x1x2048xf32>
      %slice3A_125 = vector.extract_strided_slice %add3A_60 {offsets = [0, 48, 0], sizes = [16, 8, 2048], strides = [1, 1, 1]} : vector<16x64x2048xf32> to vector<16x8x2048xf32>
      %slice3A_126 = vector.extract_strided_slice %slice3A_125 {offsets = [0, 0, 0], sizes = [16, 4, 2048], strides = [1, 1, 1]} : vector<16x8x2048xf32> to vector<16x4x2048xf32>
      %slice3A_127 = vector.extract_strided_slice %slice3A_125 {offsets = [0, 4, 0], sizes = [16, 4, 2048], strides = [1, 1, 1]} : vector<16x8x2048xf32> to vector<16x4x2048xf32>
      %add3A_128 = arith.addf %slice3A_126, %slice3A_127 : vector<16x4x2048xf32>
      %slice3A_129 = vector.extract_strided_slice %add3A_128 {offsets = [0, 0, 0], sizes = [16, 2, 2048], strides = [1, 1, 1]} : vector<16x4x2048xf32> to vector<16x2x2048xf32>
      %slice3A_130 = vector.extract_strided_slice %add3A_128 {offsets = [0, 2, 0], sizes = [16, 2, 2048], strides = [1, 1, 1]} : vector<16x4x2048xf32> to vector<16x2x2048xf32>
      %add3A_131 = arith.addf %slice3A_129, %slice3A_130 : vector<16x2x2048xf32>
      %slice3A_132 = vector.extract_strided_slice %add3A_131 {offsets = [0, 0, 0], sizes = [16, 1, 2048], strides = [1, 1, 1]} : vector<16x2x2048xf32> to vector<16x1x2048xf32>
      %slice3A_133 = vector.extract_strided_slice %add3A_131 {offsets = [0, 1, 0], sizes = [16, 1, 2048], strides = [1, 1, 1]} : vector<16x2x2048xf32> to vector<16x1x2048xf32>
      %add3A_134 = arith.addf %slice3A_132, %slice3A_133 : vector<16x1x2048xf32>
      %add3A_135 = arith.addf %add3A_124, %add3A_134 : vector<16x1x2048xf32>
      %slice3A_136 = vector.extract_strided_slice %add3A_60 {offsets = [0, 56, 0], sizes = [16, 8, 2048], strides = [1, 1, 1]} : vector<16x64x2048xf32> to vector<16x8x2048xf32>
      %slice3A_137 = vector.extract_strided_slice %slice3A_136 {offsets = [0, 0, 0], sizes = [16, 4, 2048], strides = [1, 1, 1]} : vector<16x8x2048xf32> to vector<16x4x2048xf32>
      %slice3A_138 = vector.extract_strided_slice %slice3A_136 {offsets = [0, 4, 0], sizes = [16, 4, 2048], strides = [1, 1, 1]} : vector<16x8x2048xf32> to vector<16x4x2048xf32>
      %add3A_139 = arith.addf %slice3A_137, %slice3A_138 : vector<16x4x2048xf32>
      %slice3A_140 = vector.extract_strided_slice %add3A_139 {offsets = [0, 0, 0], sizes = [16, 2, 2048], strides = [1, 1, 1]} : vector<16x4x2048xf32> to vector<16x2x2048xf32>
      %slice3A_141 = vector.extract_strided_slice %add3A_139 {offsets = [0, 2, 0], sizes = [16, 2, 2048], strides = [1, 1, 1]} : vector<16x4x2048xf32> to vector<16x2x2048xf32>
      %add3A_142 = arith.addf %slice3A_140, %slice3A_141 : vector<16x2x2048xf32>
      %slice3A_143 = vector.extract_strided_slice %add3A_142 {offsets = [0, 0, 0], sizes = [16, 1, 2048], strides = [1, 1, 1]} : vector<16x2x2048xf32> to vector<16x1x2048xf32>
      %slice3A_144 = vector.extract_strided_slice %add3A_142 {offsets = [0, 1, 0], sizes = [16, 1, 2048], strides = [1, 1, 1]} : vector<16x2x2048xf32> to vector<16x1x2048xf32>
      %add3A_145 = arith.addf %slice3A_143, %slice3A_144 : vector<16x1x2048xf32>
      %add3A_146 = arith.addf %add3A_135, %add3A_145 : vector<16x1x2048xf32>
      %squeeze3A = vector.shape_cast %add3A_146 : vector<16x1x2048xf32> to vector<16x2048xf32>
      %swap3A_147 = arith.index_cast %multiple_of3A : i32 to index
      %swap3A_148 = arith.constant 0 : index
      %swap3A_149 = vector.load %arg7[%swap3A_147, %swap3A_148] : memref<512x2048xf32, #tpu.memory_space<vmem>>, vector<16x2048xf32>
      tpu.vector_store %arg7[%swap3A_147, %swap3A_148], %squeeze3A {strides = array<i32>} : memref<512x2048xf32, #tpu.memory_space<vmem>>, vector<16x2048xf32>,
    }
    %scan3A_5 = arith.constant 32 : i32
    %get3A_6 = arith.constant 0 : index
    %get3A_7 = arith.constant 0 : index
    %get3A_8 = vector.load %arg7[%get3A_6, %get3A_7] : memref<512x2048xf32, #tpu.memory_space<vmem>>, vector<512x2048xf32>
    %exp3A = math.exp %get3A_8 : vector<512x2048xf32>
    %reduce_max3A = arith.constant dense<0xFF800000> : vector<2048xf32>
    %reduce_max3A_9 = vector.multi_reduction <maximumf>, %exp3A, %reduce_max3A [0] : vector<512x2048xf32> to vector<2048xf32>
    %broadcast_in_dim3A = vector.shape_cast %reduce_max3A_9 : vector<2048xf32> to vector<1x2048xf32>
    %iota3A = tpu.iota {dimensions = array<i32: 0>} : vector<512x2048xi32>
    %eq3A = vector.broadcast %broadcast_in_dim3A : vector<1x2048xf32> to vector<512x2048xf32>
    %eq3A_10 = arith.cmpf oeq, %exp3A, %eq3A : vector<512x2048xf32>
    %jit3A = arith.constant 512 : i32
    %broadcast_in_dim3A_11 = vector.broadcast %jit3A : i32 to vector<512x2048xi32>
    %select_n3A = arith.select %eq3A_10, %iota3A, %broadcast_in_dim3A_11 : vector<512x2048xi1>, vector<512x2048xi32>
    %reduce_min3A = arith.constant dense<2147483647> : vector<2048xi32>
    %reduce_min3A_12 = vector.multi_reduction <minsi>, %select_n3A, %reduce_min3A [0] : vector<512x2048xi32> to vector<2048xi32>
    %broadcast_in_dim3A_13 = vector.shape_cast %reduce_min3A_12 : vector<2048xi32> to vector<1x2048xi32>
    %transpose3A = tpu.transpose %broadcast_in_dim3A_13, [1, 0] : vector<1x2048xi32> -> vector<2048x1xi32>
    %iota3A_14 = tpu.iota {dimensions = array<i32: 1>} : vector<2048x512xi32>
    %eq3A_15 = vector.broadcast %transpose3A : vector<2048x1xi32> to vector<2048x512xi32>
    %eq3A_16 = arith.cmpi eq, %iota3A_14, %eq3A_15 : vector<2048x512xi32>
    %convert_element_type3A = arith.extui %eq3A_16 : vector<2048x512xi1> to vector<2048x512xi32>
    %convert_element_type3A_17 = arith.sitofp %convert_element_type3A : vector<2048x512xi32> to vector<2048x512xf32>
    %swap3A = arith.constant 0 : index
    %swap3A_18 = arith.constant 0 : index
    %swap3A_19 = vector.load %arg4[%swap3A, %swap3A_18] : memref<2048x512xf32, #tpu.memory_space<vmem>>, vector<2048x512xf32>
    tpu.vector_store %arg4[%swap3A, %swap3A_18], %convert_element_type3A_17 {strides = array<i32>} : memref<2048x512xf32, #tpu.memory_space<vmem>>, vector<2048x512xf32>,
    %swap3A_20 = arith.constant 0 : index
    %swap3A_21 = arith.constant 0 : index
    %swap3A_22 = vector.load %arg6[%swap3A_20, %swap3A_21] : memref<2048x1xi32, #tpu.memory_space<vmem>>, vector<2048x1xi32>
    tpu.vector_store %arg6[%swap3A_20, %swap3A_21], %transpose3A {strides = array<i32>} : memref<2048x1xi32, #tpu.memory_space<vmem>>, vector<2048x1xi32>,
    %get3A_23 = arith.constant 0 : index
    %get3A_24 = arith.constant 0 : index
    %get3A_25 = vector.load %arg3[%get3A_23, %get3A_24] : memref<512x64xf32, #tpu.memory_space<vmem>>, vector<512x64xf32>
    %mul3A = arith.constant 0.899999976 : f32
    %mul3A_26 = vector.broadcast %mul3A : f32 to vector<512x64xf32>
    %mul3A_27 = arith.mulf %mul3A_26, %get3A_25 : vector<512x64xf32>
    %get3A_28 = arith.constant 0 : index
    %get3A_29 = arith.constant 0 : index
    %get3A_30 = vector.load %arg1[%get3A_28, %get3A_29] : memref<512x64xf32, #tpu.memory_space<vmem>>, vector<512x64xf32>
    %mul3A_31 = arith.constant 1.000000e-01 : f32
    %mul3A_32 = vector.broadcast %mul3A_31 : f32 to vector<512x64xf32>
    %mul3A_33 = arith.mulf %mul3A_32, %get3A_30 : vector<512x64xf32>
    %add3A = arith.addf %mul3A_27, %mul3A_33 : vector<512x64xf32>
    %swap3A_34 = arith.constant 0 : index
    %swap3A_35 = arith.constant 0 : index
    %swap3A_36 = vector.load %arg5[%swap3A_34, %swap3A_35] : memref<512x64xf32, #tpu.memory_space<vmem>>, vector<512x64xf32>
    tpu.vector_store %arg5[%swap3A_34, %swap3A_35], %add3A {strides = array<i32>} : memref<512x64xf32, #tpu.memory_space<vmem>>, vector<512x64xf32>,
    return
  }
}

</mosaic_0001>

<sc_bundles>
// kernel: kernel.7.cloned.1.call-start
scs
__scs_entry_jumppad:
0x0: {  	(pc) =	sbr.rel $0x88, $3  }
0x1: {  	(tag) =	ssettag $0x0;
	lr =	simm.s32 $0x1  }
0x2: {  	[smem:$0x3F9D] =	sst lr;
	_ =	strace $0xD0000000  }
0x3: {  	_ = 	snop  }
0x4: {  	_ = 	snop  }
0x5: {  	_ = 	snop  }
0x6: {  	_ = 	snop  }
0x7: {  	_ = 	snop  }
__scs_overlays_trampoline_lowered:
0x8: {  	[smem:$0x3FAC] =	sst s0  }
0x9: {  	[smem:$0x3FAD] =	sst s1  }
0xa: {  	[smem:$0x3FAE] =	sst s2  }
0xb: {  	[smem:$0x3FAF] =	sst s3  }
0xc: {  	[smem:$0x3FB0] =	sst s4  }
0xd: {  	[smem:$0x3FB1] =	sst s5  }
0xe: {  	[smem:$0x3FB2] =	sst s6  }
0xf: {  	[smem:$0x3FB3] =	sst s7  }
0x10: {  	[smem:$0x3FB4] =	sst s8  }
0x11: {  	[smem:$0x3FB5] =	sst s9;
	s0 =	simm.s32 @!p0 $0x0  }
0x12: {  	s1 =	sld [smem:$0x3F9B];
	s0 =	simm.s32 @p0 $0x1  }
0x13: {  	[smem:$0x3FB6] =	sst s0;
	s0 =	simm.s32 @!p1 $0x0  }
0x14: {  	s2 =	sld [smem:$0x3F9A];
	s0 =	simm.s32 @p1 $0x1  }
0x15: {  	[smem:$0x3FB7] =	sst s0;
	s0 =	simm.s32 @!p2 $0x0  }
0x16: {  	s3 =	sld [smem:$0x3FDB];
	s0 =	simm.s32 @p2 $0x1  }
0x17: {  	s4 =	simm.s32 $0x1BF5;
	[smem:$0x3FB9] =	sst s0  }
0x18: {  	s0 =	sld [smem:$0x3F9C];
	_ =	swait.ge [sflag:s4], $0x0  }
0x19: {  	s7 =	sld [smem:$0x3F9D]  }
0x1a: {  	s8 =	sadd.s32 $0xFFFFE003, lr  }
0x1b: {  	s9 =	sadd.s32 $0xFFFFFEF7, lr;
	s5 =	simm.s32 $0xFFFFFFFF;
	p2 =	slt.u32 s8, $0xFFFFF086  }
0x1c: {  	p1 =	slt.u32 s9, $0xF7A;
	s5 =	simm.s32 @!p2 $0x0  }
0x1d: {  	s5 =	simm.s32 @p1 $0x1;
	p0 =	seq.s32 s7, s2  }
0x1e: {  	s7 =	smul.u32 @!p0 $0xF7A, s2;
	p2 =	seq.s32 @!p0 s5, $0x0  }
0x1f: {  	s9 =	smul.u32 $0xF7A, s1;
	s8 =	simm.s32 @!p0 $0x1BF5;
	p2 =	por !p2, p0  }
0x20: {  	[sflag:s8] =	ssyncset.s32 @!p0 $0xFFFFF086;
	s6 =	sadd.s32 @!p0 s3, s7;
	s7 =	simm.s32 @!p0 $0x108  }
0x21: {  	s3 =	sadd.s32 s3, s9;
	s6 =	sadd.s32 @!p0 $0x88, s6;
	s7 =	simm.s32 @p2 $0x1082  }
0x22: {  	[simem:s7], [sflag:s8] =	dma.local @!p0 [hbm:s6], $0xF7A  }
0x23: {  	s9 =	sor.u32 $0xD0000000, s2;
	s6 =	simm.s32 $0x108;
	_ =	swait.ge @!p0 [sflag:s8], $0x0  }
0x24: {  	s3 =	sadd.s32 $0x88, s3;
	s6 =	simm.s32 @!p1 $0x1082;
	[sflag:s4] =	ssyncset.s32 $0xFFFFF086  }
0x25: {  	[simem:s6], [sflag:s4] =	dma.local [hbm:s3], $0xF7A  }
0x26: {  	[smem:$0x3F9D] =	sst s1;
	(tag) =	ssettag s2;
	_ =	strace s9  }
0x27: {  	s1 =	sld [smem:$0x3FAD]  }
0x28: {  	s2 =	sld [smem:$0x3FAE]  }
0x29: {  	s4 =	sld [smem:$0x3FB0]  }
0x2a: {  	p0 =	seq.s32 s5, $0x0;
	s5 =	sld [smem:$0x3FB1]  }
0x2b: {  	s6 =	sld [smem:$0x3FB2]  }
0x2c: {  	s7 =	sld [smem:$0x3FB3]  }
0x2d: {  	s3 =	simm.s32 $0x108;
	s8 =	sld [smem:$0x3FB4]  }
0x2e: {  	s3 =	simm.s32 @!p0 $0x1082;
	s9 =	sld [smem:$0x3FB5]  }
0x2f: {  	lr =	sadd.s32 s0, s3;
	s0 =	sld [smem:$0x3FAC]  }
0x30: {  	s3 =	sld [smem:$0x3FAF]  }
0x31: {  	[smem:$0x3FB8] =	sst s10  }
0x32: {  	s10 =	sld [smem:$0x3FB6];
	_ =	sdelay $0x3  }
0x33: {  	p0 =	seq.s32 s10, $0x1;
	s10 =	sld [smem:$0x3FB8];
	_ =	sdelay $0x3  }
0x34: {  	[smem:$0x3FB8] =	sst s10  }
0x35: {  	s10 =	sld [smem:$0x3FB7];
	_ =	sdelay $0x3  }
0x36: {  	p1 =	seq.s32 s10, $0x1;
	s10 =	sld [smem:$0x3FB8];
	_ =	sdelay $0x3  }
0x37: {  	[smem:$0x3FB8] =	sst s10  }
0x38: {  	s10 =	sld [smem:$0x3FB9]  }
0x39: {  	_ = 	snop;
	(pc) =	sbr.ind lr, $3  }
0x3a: {  	_ = 	snop  }
0x3b: {  	_ = 	snop  }
0x3c: {  	p2 =	seq.s32 s10, $0x1;
	s10 =	sld [smem:$0x3FB8]  }
0x3d: {  	_ =	shalt  }
0x3e: {  	_ =	shalt  }
0x3f: {  	_ =	shalt  }
0x40: {  	_ =	shalt  }
0x41: {  	_ =	shalt  }
0x42: {  	_ =	shalt  }
0x43: {  	_ =	shalt  }
0x44: {  	_ =	shalt  }
0x45: {  	_ =	shalt  }
0x46: {  	_ =	shalt  }
0x47: {  	_ =	shalt  }
0x48: {  	_ =	shalt  }
0x49: {  	_ =	shalt  }
0x4a: {  	_ =	shalt  }
0x4b: {  	_ =	shalt  }
0x4c: {  	_ =	shalt  }
0x4d: {  	_ =	shalt  }
0x4e: {  	_ =	shalt  }
0x4f: {  	_ =	shalt  }
0x50: {  	_ =	shalt  }
0x51: {  	_ =	shalt  }
0x52: {  	_ =	shalt  }
0x53: {  	_ =	shalt  }
0x54: {  	_ =	shalt  }
0x55: {  	_ =	shalt  }
0x56: {  	_ =	shalt  }
0x57: {  	_ =	shalt  }
0x58: {  	_ =	shalt  }
0x59: {  	_ =	shalt  }
0x5a: {  	_ =	shalt  }
0x5b: {  	_ =	shalt  }
0x5c: {  	_ =	shalt  }
0x5d: {  	_ =	shalt  }
0x5e: {  	_ =	shalt  }
0x5f: {  	_ =	shalt  }
0x60: {  	_ =	shalt  }
0x61: {  	_ =	shalt  }
0x62: {  	_ =	shalt  }
0x63: {  	_ =	shalt  }
0x64: {  	_ =	shalt  }
0x65: {  	_ =	shalt  }
0x66: {  	_ =	shalt  }
0x67: {  	_ =	shalt  }
0x68: {  	_ =	shalt  }
0x69: {  	_ =	shalt  }
0x6a: {  	_ =	shalt  }
0x6b: {  	_ =	shalt  }
0x6c: {  	_ =	shalt  }
0x6d: {  	_ =	shalt  }
0x6e: {  	_ =	shalt  }
0x6f: {  	_ =	shalt  }
0x70: {  	_ =	shalt  }
0x71: {  	_ =	shalt  }
0x72: {  	_ =	shalt  }
0x73: {  	_ =	shalt  }
0x74: {  	_ =	shalt  }
0x75: {  	_ =	shalt  }
0x76: {  	_ =	shalt  }
0x77: {  	_ =	shalt  }
0x78: {  	_ =	shalt  }
0x79: {  	_ =	shalt  }
0x7a: {  	_ =	shalt  }
0x7b: {  	_ =	shalt  }
0x7c: {  	_ =	shalt  }
0x7d: {  	_ =	shalt  }
0x7e: {  	_ =	shalt  }
0x7f: {  	_ =	shalt  }
0x80: {  	_ =	shalt  }
0x81: {  	_ =	shalt  }
0x82: {  	_ =	shalt  }
0x83: {  	_ =	shalt  }
0x84: {  	_ =	shalt  }
0x85: {  	_ =	shalt  }
0x86: {  	_ =	shalt  }
0x87: {  	_ =	shalt  }
.Lfunc_end0:
.L_simem_size_0:
called_computation_lowered:
.L_overlay_start_0:
0x88: {  	s2 =	sld [smem:$0x3FD9]  }
0x89: {  	s3 =	sld [smem:$0x3FFE];
	_ =	sdelay $0x1  }
0x8a: {  	s1 =	srdreg.scid  }
0x8b: {  	s0 =	sand.u32 $0x1, s1  }
0x8c: {  	s14 =	sshll.u32 s0, $0xA;
	s2 =	sadd.s32 s3, s2  }
0x8d: {  	s2 =	sadd.s32 s2, s14  }
0x8e: {  	[smem:$0x3FC4] =	sst s2  }
0x8f: {  	_ = 	snop  }
0x90: {  	s2 =	sld [smem:$0x3FD0];
	_ =	sdelay $0x2  }
0x91: {  	s15 =	simm.s32 $0xA;
	s4 =	simm.s32 $0x10  }
0x92: {  	[smem:s4], [sflag:s15] =	dma.local [hbm:s2], $0x1  }
0x93: {  	_ =	swait.eq [sflag:s15], $0x1  }
0x94: {  	[sflag:s15] =	ssyncset.done $0x0  }
0x95: {  	[sflag:s15] =	ssyncadd.s32 $0xFFFFFFFF  }
0x96: {  	s16 =	sld [smem:$0x11];
	(tm) =	ssettm $0x1  }
0x97: {  	s17 =	sld [smem:$0x3FFB];
	_ =	sdelay $0x3  }
0x98: {  	_ =	strace s17  }
0x99: {  	s3 =	sld [smem:$0x3FFC];
	_ =	sdelay $0x3  }
0x9a: {  	_ =	strace s3  }
0x9b: {  	s3 =	sld [smem:$0x3FFD];
	_ =	sdelay $0x3  }
0x9c: {  	_ =	strace s3  }
0x9d: {  	_ =	strace $0x8FFFFFFF  }
0x9e: {  	s18 =	sld [smem:$0x3FDB];
	_ =	sdelay $0x1  }
0x9f: {  	s19 =	simm.s32 $_scs_section_size  }
0xa0: {  	s5 =	simm.s32 $_size__tile_overlayer_lowered;
	s6 =	simm.s32 $_tile_overlayer_lowered  }
0xa1: {  	s22 =	simm.s32 $0x1BFF;
	s21 =	sshll.u32 s6, $0x1;
	s3 =	sadd.s32 s19, s18  }
0xa2: {  	s7 =	simm.s32 $0x0;
	s20 =	sshll.u32 s5, $0x1;
	s5 =	sadd.s32 s21, s3  }
0xa3: {  	[timem:s7], [sflag:s22] =	dma.local [hbm:s5], s20  }
0xa4: {  	_ =	swait.ge [sflag:s22], s20  }
0xa5: {  	s4 =	ssub.s32 $0x0, s20;
	[sflag:s22] =	ssyncset.done $0x0  }
0xa6: {  	[sflag:s22] =	ssyncadd.s32 s4;
	_ =	sdelay $0x1  }
0xa7: {  	s23 =	simm.s32 $0x1B8B  }
0xa8: {  	_ =	swait.ge [sflag:s23], $0x1  }
0xa9: {  	[sflag:s23] =	ssyncset.done $0x0  }
0xaa: {  	s25 =	simm.s32 $0x1B8E;
	s24 =	sld [smem:$0x3FFE];
	[sflag:s23] =	ssyncadd.s32 $0xFFFFFFFF  }
0xab: {  	s26 =	simm.s32 $execute0_lowered;
	[smem:$0x3FD2] =	sst s25  }
0xac: {  	s5 =	sshll.u32 s26, $0x1;
	_ =	strace $0x80000046;
	[dreg:$0x1] =	wrdreg $0xFFFFFFFF  }
0xad: {  	s28 =	simm.s32 $_size_execute0_lowered;
	s3 =	sadd.s32 s3, s5;
	[dreg:$0x0] =	wrdreg $0x0  }
0xae: {  	s5 =	sshll.u32 s28, $0x1;
	[dreg:$0x2] =	wrdreg s3  }
0xaf: {  	[dreg:$0x3] =	wrdreg s5  }
0xb0: {  	[dreg:$0x4] =	wrdreg $0xC0  }
0xb1: {  	_ =	task [dreg:s7], $0x5FFFF  }
0xb2: {  	[dreg:$0x1] =	wrdreg $0xFFFFFFFF  }
0xb3: {  	[dreg:$0x0] =	wrdreg $0x60  }
0xb4: {  	[dreg:$0x2] =	wrdreg s24  }
0xb5: {  	[dreg:$0x3] =	wrdreg s16  }
0xb6: {  	[dreg:$0x4] =	wrdreg $0x9  }
0xb7: {  	_ =	task.clear_ibuf [dreg:s7], $0x5FFFF;
	_ =	strace $0x90000046  }
0xb8: {  	s29 =	simm.s32 $0x9;
	_ =	strace $0x80000048  }
0xb9: {  	_ =	swait.ge [sflag:s29], $0x1  }
0xba: {  	[sflag:s29] =	ssyncadd.s32 $0xFFFFFFFF  }
0xbb: {  	_ =	strace $0x90000048  }
0xbc: {  	_ =	sfence  }
0xbd: {  	s30 =	sld [smem:$0x0];
	_ =	sdelay $0x2  }
0xbe: {  	s31 =	sshll.u32 s1, $0xD;
	s1 =	sshrl.u32 s1, $0x2  }
0xbf: {  	s3 =	sand.u32 $0x4000, s31;
	s1 =	sadd.s32 s1, s30  }
0xc0: {  	s0 =	sor.u32 s3, s0;
	s1 =	sshll.u32 s1, $0x11  }
0xc1: {  	s0 =	sor.u32 s1, s0  }
0xc2: {  	s0 =	sadd.s32 $0x8F2B, s0  }
0xc3: {  	[sflag:s0] =	ssyncadd.remote.s32 $0x1  }
0xc4: {  	_ =	sfence.sel $0xFFFF  }
0xc5: {  	[dreg:$0x0] =	wrdreg $0xFFFFFFFF;
	(pc) =	sbr.abs _section_cstart, $3  }
0xc6: {  	[dreg:$0x1] =	wrdreg $0xFFFFFFFF  }
0xc7: {  	_ =	task.clear_ibuf [dreg:s7], $0x2FFFF;
	_ =	strace $0x9FFFFFFF  }
0xc8: {  	(tm) =	ssettm $0x7FFFFFFF  }
0xc9: {  	_ =	shalt  }
tec
execute0_lowered:
.L_overlay_start_1:
0x0: {  	(tag) =	ssettag $0x1  }
0x1: {  	s1 =	srdreg.scid  }
0x2: {  	s0 =	stileid.u32;
	s6 =	sand.u32 $0x1, s1  }
0x3: {  	s5 =	rddreg [dreg:$0x0];
	s30 =	sshll.u32 s0, $0x7;
	s2 =	sshll.u32 s6, $0x6  }
0x4: {  	s9 =	rddreg [dreg:$0x1];
	s7 =	simm.s32 $0x80;
	s10 =	sor.u32 s2, s30  }
0x5: {  	s1 =	rddreg [dreg:$0x2];
	s2 =	simm.s32 $0x0;
	s3 =	sshrl.u32 s10, $0x3  }
0x6: {  	s11 =	ssub.s32 $0x2, s6;
	[smem:$0x7FF] =	sst s2;
	s3 =	sadd.s32 s3, s5  }
0x7: {  	_ =	strace $0x80000047;
	s4 =	sadd.s32 $0xA00, s3;
	s3 =	simm.s32 $0x2  }
0x8: {  	[tilespmem:s2], [sflag:$0x2] =	stream.linear.gather [hbm4b:s4+s2], $0x40, $0x38;
	[tilespmem:$0x2080] =	vst v63  }
0x9: {  	s8 =	simm.s32 $0x1;
	s12 =	sshrl.u32 s11, $0x1;
	_ =	swait.ge [sflag:s3], $0x40  }
0xa: {  	s6 =	simm.s32 $0x40;
	s11 =	ssub.s32 s11, s12;
	[sflag:s3] =	ssyncset.done $0x0  }
0xb: {  	s5 =	sadd.s32 $0xC00, s5;
	s31 =	smax.u32 s11, $0x1;
	[sflag:s3] =	ssyncadd.s32 $0xFFFFFFC0  }
0xc: {  	[tilespmem:s7], [sflag:$0x1] =	stream.indirect.gather [hbm4b:s5+s6], $0x80, s2, s6, $0xb8;
	[tilespmem:$0x2080] =	vst v63  }
0xd: {  	p0 =	sne.s32 s31, $0x1;
	_ =	swait.ge [sflag:s8], $0x2000  }
.Ltmp0:
0xe: {  	s10 =	sshll.u32 s10, $0x4;
	[sflag:s8] =	ssyncset.done $0x0;
	(pc) =	sbr.rel @!p0 .LBB2_2-.Ltmp0, $4  }
0xf: {  	s9 =	sadd.s32 s9, s10;
	[sflag:s8] =	ssyncadd.s32 $0xFFFFE000  }
0x10: {  	[hbm4b:s9+s2] =	stream.linear.scatter [tilespmem:s7], [sflag:$0x2], $0x2000, $0x38;
	[tilespmem:$0x2080] =	vst v63  }
0x11: {  	_ =	swait.ge [sflag:s3], $0x2000  }
0x12: {  	s10 =	sadd.s32 $0xFFFFFFFF, s31;
	[sflag:s3] =	ssyncset.done $0x0  }
.LBB2_1:
0x13: {  	p0 =	sne.s32 s10, $0x1;
	s10 =	sadd.s32 $0xFFFFFFFF, s10;
	[sflag:s3] =	ssyncadd.s32 $0xFFFFE000  }
0x14: {  	[tilespmem:s2], [sflag:$0x2] =	stream.linear.gather [hbm4b:s4+s2], $0x40, $0x38;
	[tilespmem:$0x2080] =	vst v63  }
0x15: {  	_ =	swait.ge [sflag:s3], $0x40  }
0x16: {  	[sflag:s3] =	ssyncset.done $0x0  }
0x17: {  	[sflag:s3] =	ssyncadd.s32 $0xFFFFFFC0  }
0x18: {  	[tilespmem:s7], [sflag:$0x1] =	stream.indirect.gather [hbm4b:s5+s6], $0x80, s2, s6, $0xb8;
	[tilespmem:$0x2080] =	vst v63  }
0x19: {  	_ =	swait.ge [sflag:s8], $0x2000  }
.Ltmp1:
0x1a: {  	[sflag:s8] =	ssyncset.done $0x0;
	(pc) =	sbr.rel @p0 .LBB2_1-.Ltmp1, $4  }
0x1b: {  	[sflag:s8] =	ssyncadd.s32 $0xFFFFE000  }
0x1c: {  	[hbm4b:s9+s2] =	stream.linear.scatter [tilespmem:s7], [sflag:$0x2], $0x2000, $0x38;
	[tilespmem:$0x2080] =	vst v63  }
0x1d: {  	_ =	swait.ge [sflag:s3], $0x2000  }
0x1e: {  	[sflag:s3] =	ssyncset.done $0x0  }
.LBB2_2:
0x1f: {  	[sflag:s3] =	ssyncadd.s32 $0xFFFFE000  }
0x20: {  	_ =	sfence.sel $0x180000  }
0x21: {  	[bflag:$0x0] =	sbarrier.arrive $0xFFFF  }
0x22: {  	p0 =	sne.s32 s0, $0x0;
	_ =	strace $0x90000047  }
0x23: {  	s0 =	sadd.s32 @!p0 $0x100000, s1;
	[bflag:$0x2] =	sbarrier.arrive $0xFFFF  }
0x24: {  	[sflag:s0] =	ssyncadd.tile.s32 @!p0 $0x1;
	_ =	shalt  }
.Lfunc_end2:
_tile_overlayer_lowered:
.L_overlay_start_2:
0x25: {  	(tag) =	ssettag $0x2  }
0x26: {  	s0 =	rddreg [dreg:$0x0];
	s2 =	stileid.u32  }
0x27: {  	s1 =	rddreg [dreg:$0x1];
	p0 =	sne.s32 s2, $0x0  }
0x28: {  	s3 =	rddreg [dreg:$0x2];
	[bflag:$0x3] =	sbarrier.arrive $0xFFFF;
	s2 =	simm.s32 @!p0 $0x1C02  }
0x29: {  	[timem:s3], [sflag:s2] =	dma.local @!p0 [hbm:s0], s1  }
0x2a: {  	s0 =	simm.s32 @!p0 $0x2  }
0x2b: {  	_ =	swait.ge @!p0 [sflag:s0], s1  }
0x2c: {  	s1 =	ssub.s32 @!p0 $0x0, s1;
	[sflag:s0] =	ssyncset.done @!p0 $0x0  }
0x2d: {  	[sflag:s0] =	ssyncadd.s32 @!p0 s1  }
0x2e: {  	[bflag:$0x3] =	sbarrier.arrive $0xFFFF  }
0x2f: {  	_ =	shalt  }

</sc_bundles>
